<compile_context>
chip_gen: v7x
topology: tpu7x:2x2x1
jax: 0.10.2.dev20260603
libtpu: 0.0.44.dev20260713+nightly
codegen_flags: <defaults>
</compile_context>

<pallas_src>
import functools

import jax
import jax.numpy as jnp
from jax import lax
from jax.experimental import pallas as pl
from jax.experimental.pallas import tpu as pltpu
from jax.experimental.pallas import tpu_sc as plsc

_NUM_CLASSES = 100000
_HIDDEN = 64
_DROP_P = 0.35
_BATCH = 16384

_LANES = 16
_NUM_WORKERS = 32
_B_PER_W = _BATCH // _NUM_WORKERS
_IDX_CHUNK = 128
_N_CHUNKS = _B_PER_W // _IDX_CHUNK


def _embed_body(labels_hbm, unif_hbm, table_hbm, out_hbm,
                lab_v, u_v, idx_v, cfg_v, rows_v, sem_g, sem_c):
    wid = lax.axis_index("s") * 2 + lax.axis_index("c")
    base = wid * _B_PER_W

    pltpu.sync_copy(labels_hbm.at[pl.ds(base, _B_PER_W)], lab_v)
    pltpu.sync_copy(unif_hbm.at[pl.ds(base, _B_PER_W)],
                    u_v.at[pl.ds(0, _B_PER_W)])

    for c in range(_N_CHUNKS):
        for i in range(_IDX_CHUNK // _LANES):
            off = c * _IDX_CHUNK + i * _LANES
            idx_v[c, pl.ds(i * _LANES, _LANES)] = lab_v[pl.ds(off, _LANES)]

    copies = [
        pltpu.async_copy(
            table_hbm.at[idx_v.at[c]],
            rows_v.at[pl.ds(c * _IDX_CHUNK, _IDX_CHUNK)],
            sem_g)
        for c in range(_N_CHUNKS)
    ]
    cfg_copy = pltpu.async_copy(
        table_hbm.at[pl.ds(_NUM_CLASSES, 1)], cfg_v, sem_c)

    cfg_copy.wait()
    for cp in copies:
        cp.wait()

    cregs = [cfg_v[0, pl.ds(q * _LANES, _LANES)]
             for q in range(_HIDDEN // _LANES)]

    def _ow(r, carry):
        u_r = u_v[pl.ds(r, _LANES)][0]

        @pl.when(u_r < _DROP_P)
        def _():
            for q in range(_HIDDEN // _LANES):
                rows_v[r, pl.ds(q * _LANES, _LANES)] = cregs[q]

        return carry

    lax.fori_loop(0, _B_PER_W, _ow, jnp.int32(0))

    pltpu.sync_copy(rows_v, out_hbm.at[pl.ds(base, _B_PER_W)])


@jax.jit
def _embed(labels, unif, table):
    mesh = plsc.VectorSubcoreMesh(core_axis_name="c", subcore_axis_name="s")
    fn = functools.partial(
        pl.kernel,
        mesh=mesh,
        out_type=jax.ShapeDtypeStruct((_BATCH, _HIDDEN), jnp.float32),
        scratch_types=[
            pltpu.VMEM((_B_PER_W,), jnp.int32),
            pltpu.VMEM((_B_PER_W + _LANES,), jnp.float32),
            pltpu.VMEM((_N_CHUNKS, _IDX_CHUNK), jnp.int32),
            pltpu.VMEM((1, _HIDDEN), jnp.float32),
            pltpu.VMEM((_B_PER_W, _HIDDEN), jnp.float32),
            pltpu.SemaphoreType.DMA,
            pltpu.SemaphoreType.DMA,
        ],
        compiler_params=pltpu.CompilerParams(use_tc_tiling_on_sc=False),
    )(_embed_body)
    return fn(labels, unif, table)


def kernel(labels, table):
    unif = jax.random.uniform(jax.random.key(42), (labels.shape[0],))
    return _embed(labels, unif, table)

# --- scband reference (transcript-rebuilt; emitter-appended) ---
"""Pipeline reference for scband-label-embedder-901943132196 (READ-ONLY COPY).

The authoritative reference and input builder live on the scoring server;
editing this copy changes nothing except your own understanding.
"""

import jax, jax.numpy as jnp
import numpy as np

NUM_CLASSES = 100000
HIDDEN_SIZE = 64
DROPOUT_PROB = 0.35
BATCH = 16384


def setup_inputs(seed: int = 0) -> dict:
    key = jax.random.key(seed)
    k_labels, k_table = jax.random.split(key)
    labels = jax.random.randint(k_labels, (BATCH,), 0, NUM_CLASSES, dtype=jnp.int32)
    # nn.Embedding(num_classes + 1, hidden_size) since dropout_prob > 0 adds a CFG row
    table = jax.random.normal(k_table, (NUM_CLASSES + 1, HIDDEN_SIZE), dtype=jnp.float32)
    return {"labels": labels, "table": table}


def reference(labels, table):
    # token_drop: replace labels with the CFG class (num_classes) with prob dropout_prob
    drop_key = jax.random.key(42)
    drop_ids = jax.random.uniform(drop_key, (labels.shape[0],)) < DROPOUT_PROB
    labels = jnp.where(drop_ids, NUM_CLASSES, labels)
    # embedding lookup (gather)
    embeddings = jnp.take(table, labels, axis=0)
    return embeddings

if __name__ == "__main__":
    import jax
    _d = setup_inputs()
    print(jax.jit(kernel)(*tuple(_d.values())))

</pallas_src>

<mosaic_0001>
#map = affine_map<(d0, d1) -> (0)>
#map1 = affine_map<(d0, d1) -> (0, 0)>
module attributes {stable_mosaic.version = 14 : i64} {
  func.func @_embed_body(%arg0: i32, %arg1: i32, %arg2: memref<16384xi32, #tpu.memory_space<hbm>>, %arg3: memref<16384xf32, #tpu.memory_space<hbm>>, %arg4: memref<100001x64xf32, #tpu.memory_space<hbm>>, %arg5: memref<16384x64xf32, #tpu.memory_space<hbm>>, %arg6: memref<512xi32, #tpu.memory_space<vmem>>, %arg7: memref<528xf32, #tpu.memory_space<vmem>>, %arg8: memref<4x128xi32, #tpu.memory_space<vmem>>, %arg9: memref<1x64xf32, #tpu.memory_space<vmem>>, %arg10: memref<512x64xf32, #tpu.memory_space<vmem>>, %arg11: memref<!tpu.dma_semaphore, #tpu.memory_space<semaphore_mem>>, %arg12: memref<!tpu.dma_semaphore, #tpu.memory_space<semaphore_mem>>) attributes {dimension_semantics = [#tpu.dimension_semantics<core_parallel>, #tpu.dimension_semantics<subcore_parallel>], iteration_bounds = array<i64: 2, 16>, scalar_prefetch = 0 : i64, scratch_operands = 7 : i64, tpu.core_type = #tpu.core_type<sc_vector_subcore>, window_params = [{transform_indices = #map}, {transform_indices = #map}, {transform_indices = #map1}, {transform_indices = #map1}]} {
    %mul3A = arith.constant 2 : i32
    %mul3A_0 = arith.muli %arg1, %mul3A : i32
    %add3A = arith.addi %mul3A_0, %arg0 : i32
    %mul3A_1 = arith.constant 512 : i32
    %mul3A_2 = arith.muli %add3A, %mul3A_1 : i32
    "tpu.region"() ({
      %run_scoped3A = tpu.sem_alloc : memref<!tpu.dma_semaphore, #tpu.memory_space<semaphore_mem>>
      %dma_start3A_404 = tpu.memref_slice %arg2[%mul3A_2] : memref<16384xi32, #tpu.memory_space<hbm>> -> memref<512xi32, #tpu.memory_space<hbm>>
      %dma_start3A_405 = tpu.memref_slice %arg2[%mul3A_2] : memref<16384xi32, #tpu.memory_space<hbm>> -> memref<512xi32, #tpu.memory_space<hbm>>
      tpu.enqueue_dma source(%dma_start3A_405 : memref<512xi32, #tpu.memory_space<hbm>>) target(%arg6 : memref<512xi32, #tpu.memory_space<vmem>>) target_semaphore(%run_scoped3A : memref<!tpu.dma_semaphore, #tpu.memory_space<semaphore_mem>>)
      %dma_wait3A_406 = tpu.memref_slice %arg2[%mul3A_2] : memref<16384xi32, #tpu.memory_space<hbm>> -> memref<512xi32, #tpu.memory_space<hbm>>
      %dma_wait3A_407 = tpu.memref_slice %arg2[%mul3A_2] : memref<16384xi32, #tpu.memory_space<hbm>> -> memref<512xi32, #tpu.memory_space<hbm>>
      tpu.wait_dma2 semaphore(%run_scoped3A : memref<!tpu.dma_semaphore, #tpu.memory_space<semaphore_mem>>) src(%dma_wait3A_407 : memref<512xi32, #tpu.memory_space<hbm>>) dst(%arg6 : memref<512xi32, #tpu.memory_space<vmem>>)
      tpu.yield
    }) : () -> ()
    "tpu.region"() ({
      %run_scoped3A = tpu.sem_alloc : memref<!tpu.dma_semaphore, #tpu.memory_space<semaphore_mem>>
      %dma_start3A_404 = arith.constant 0 : i32
      %dma_start3A_405 = tpu.memref_slice %arg7[%dma_start3A_404] : memref<528xf32, #tpu.memory_space<vmem>> -> memref<512xf32, #tpu.memory_space<vmem>>
      %dma_start3A_406 = tpu.memref_slice %arg3[%mul3A_2] : memref<16384xf32, #tpu.memory_space<hbm>> -> memref<512xf32, #tpu.memory_space<hbm>>
      %dma_start3A_407 = arith.constant 0 : i32
      %dma_start3A_408 = tpu.memref_slice %arg7[%dma_start3A_407] : memref<528xf32, #tpu.memory_space<vmem>> -> memref<512xf32, #tpu.memory_space<vmem>>
      %dma_start3A_409 = tpu.memref_slice %arg3[%mul3A_2] : memref<16384xf32, #tpu.memory_space<hbm>> -> memref<512xf32, #tpu.memory_space<hbm>>
      tpu.enqueue_dma source(%dma_start3A_409 : memref<512xf32, #tpu.memory_space<hbm>>) target(%dma_start3A_408 : memref<512xf32, #tpu.memory_space<vmem>>) target_semaphore(%run_scoped3A : memref<!tpu.dma_semaphore, #tpu.memory_space<semaphore_mem>>)
      %dma_wait3A_410 = arith.constant 0 : i32
      %dma_wait3A_411 = tpu.memref_slice %arg7[%dma_wait3A_410] : memref<528xf32, #tpu.memory_space<vmem>> -> memref<512xf32, #tpu.memory_space<vmem>>
      %dma_wait3A_412 = tpu.memref_slice %arg3[%mul3A_2] : memref<16384xf32, #tpu.memory_space<hbm>> -> memref<512xf32, #tpu.memory_space<hbm>>
      %dma_wait3A_413 = arith.constant 0 : i32
      %dma_wait3A_414 = tpu.memref_slice %arg7[%dma_wait3A_413] : memref<528xf32, #tpu.memory_space<vmem>> -> memref<512xf32, #tpu.memory_space<vmem>>
      %dma_wait3A_415 = tpu.memref_slice %arg3[%mul3A_2] : memref<16384xf32, #tpu.memory_space<hbm>> -> memref<512xf32, #tpu.memory_space<hbm>>
      tpu.wait_dma2 semaphore(%run_scoped3A : memref<!tpu.dma_semaphore, #tpu.memory_space<semaphore_mem>>) src(%dma_wait3A_415 : memref<512xf32, #tpu.memory_space<hbm>>) dst(%dma_wait3A_414 : memref<512xf32, #tpu.memory_space<vmem>>)
      tpu.yield
    }) : () -> ()
    %get3A = arith.constant 0 : index
    %get3A_3 = tpu.vector_load %arg6[%get3A] {strides = array<i32>} : memref<512xi32, #tpu.memory_space<vmem>>, vector<16xi32>,
    %get3A_4 = vector.shape_cast %get3A_3 : vector<16xi32> to vector<16xi32>
    %swap3A = arith.constant 0 : i32
    %swap3A_5 = arith.index_cast %swap3A : i32 to index
    %swap3A_6 = arith.constant 0 : index
    %swap3A_7 = tpu.vector_load %arg8[%swap3A_5, %swap3A_6] {strides = array<i32>} : memref<4x128xi32, #tpu.memory_space<vmem>>, vector<1x16xi32>,
    %swap3A_8 = vector.shape_cast %swap3A_7 : vector<1x16xi32> to vector<16xi32>
    %swap3A_9 = vector.shape_cast %get3A_4 : vector<16xi32> to vector<1x16xi32>
    tpu.vector_store %arg8[%swap3A_5, %swap3A_6], %swap3A_9 {strides = array<i32>} : memref<4x128xi32, #tpu.memory_space<vmem>>, vector<1x16xi32>,
    %get3A_10 = arith.constant 16 : index
    %get3A_11 = tpu.vector_load %arg6[%get3A_10] {strides = array<i32>} : memref<512xi32, #tpu.memory_space<vmem>>, vector<16xi32>,
    %get3A_12 = vector.shape_cast %get3A_11 : vector<16xi32> to vector<16xi32>
    %swap3A_13 = arith.constant 0 : i32
    %swap3A_14 = arith.index_cast %swap3A_13 : i32 to index
    %swap3A_15 = arith.constant 16 : index
    %swap3A_16 = tpu.vector_load %arg8[%swap3A_14, %swap3A_15] {strides = array<i32>} : memref<4x128xi32, #tpu.memory_space<vmem>>, vector<1x16xi32>,
    %swap3A_17 = vector.shape_cast %swap3A_16 : vector<1x16xi32> to vector<16xi32>
    %swap3A_18 = vector.shape_cast %get3A_12 : vector<16xi32> to vector<1x16xi32>
    tpu.vector_store %arg8[%swap3A_14, %swap3A_15], %swap3A_18 {strides = array<i32>} : memref<4x128xi32, #tpu.memory_space<vmem>>, vector<1x16xi32>,
    %get3A_19 = arith.constant 32 : index
    %get3A_20 = tpu.vector_load %arg6[%get3A_19] {strides = array<i32>} : memref<512xi32, #tpu.memory_space<vmem>>, vector<16xi32>,
    %get3A_21 = vector.shape_cast %get3A_20 : vector<16xi32> to vector<16xi32>
    %swap3A_22 = arith.constant 0 : i32
    %swap3A_23 = arith.index_cast %swap3A_22 : i32 to index
    %swap3A_24 = arith.constant 32 : index
    %swap3A_25 = tpu.vector_load %arg8[%swap3A_23, %swap3A_24] {strides = array<i32>} : memref<4x128xi32, #tpu.memory_space<vmem>>, vector<1x16xi32>,
    %swap3A_26 = vector.shape_cast %swap3A_25 : vector<1x16xi32> to vector<16xi32>
    %swap3A_27 = vector.shape_cast %get3A_21 : vector<16xi32> to vector<1x16xi32>
    tpu.vector_store %arg8[%swap3A_23, %swap3A_24], %swap3A_27 {strides = array<i32>} : memref<4x128xi32, #tpu.memory_space<vmem>>, vector<1x16xi32>,
    %get3A_28 = arith.constant 48 : index
    %get3A_29 = tpu.vector_load %arg6[%get3A_28] {strides = array<i32>} : memref<512xi32, #tpu.memory_space<vmem>>, vector<16xi32>,
    %get3A_30 = vector.shape_cast %get3A_29 : vector<16xi32> to vector<16xi32>
    %swap3A_31 = arith.constant 0 : i32
    %swap3A_32 = arith.index_cast %swap3A_31 : i32 to index
    %swap3A_33 = arith.constant 48 : index
    %swap3A_34 = tpu.vector_load %arg8[%swap3A_32, %swap3A_33] {strides = array<i32>} : memref<4x128xi32, #tpu.memory_space<vmem>>, vector<1x16xi32>,
    %swap3A_35 = vector.shape_cast %swap3A_34 : vector<1x16xi32> to vector<16xi32>
    %swap3A_36 = vector.shape_cast %get3A_30 : vector<16xi32> to vector<1x16xi32>
    tpu.vector_store %arg8[%swap3A_32, %swap3A_33], %swap3A_36 {strides = array<i32>} : memref<4x128xi32, #tpu.memory_space<vmem>>, vector<1x16xi32>,
    %get3A_37 = arith.constant 64 : index
    %get3A_38 = tpu.vector_load %arg6[%get3A_37] {strides = array<i32>} : memref<512xi32, #tpu.memory_space<vmem>>, vector<16xi32>,
    %get3A_39 = vector.shape_cast %get3A_38 : vector<16xi32> to vector<16xi32>
    %swap3A_40 = arith.constant 0 : i32
    %swap3A_41 = arith.index_cast %swap3A_40 : i32 to index
    %swap3A_42 = arith.constant 64 : index
    %swap3A_43 = tpu.vector_load %arg8[%swap3A_41, %swap3A_42] {strides = array<i32>} : memref<4x128xi32, #tpu.memory_space<vmem>>, vector<1x16xi32>,
    %swap3A_44 = vector.shape_cast %swap3A_43 : vector<1x16xi32> to vector<16xi32>
    %swap3A_45 = vector.shape_cast %get3A_39 : vector<16xi32> to vector<1x16xi32>
    tpu.vector_store %arg8[%swap3A_41, %swap3A_42], %swap3A_45 {strides = array<i32>} : memref<4x128xi32, #tpu.memory_space<vmem>>, vector<1x16xi32>,
    %get3A_46 = arith.constant 80 : index
    %get3A_47 = tpu.vector_load %arg6[%get3A_46] {strides = array<i32>} : memref<512xi32, #tpu.memory_space<vmem>>, vector<16xi32>,
    %get3A_48 = vector.shape_cast %get3A_47 : vector<16xi32> to vector<16xi32>
    %swap3A_49 = arith.constant 0 : i32
    %swap3A_50 = arith.index_cast %swap3A_49 : i32 to index
    %swap3A_51 = arith.constant 80 : index
    %swap3A_52 = tpu.vector_load %arg8[%swap3A_50, %swap3A_51] {strides = array<i32>} : memref<4x128xi32, #tpu.memory_space<vmem>>, vector<1x16xi32>,
    %swap3A_53 = vector.shape_cast %swap3A_52 : vector<1x16xi32> to vector<16xi32>
    %swap3A_54 = vector.shape_cast %get3A_48 : vector<16xi32> to vector<1x16xi32>
    tpu.vector_store %arg8[%swap3A_50, %swap3A_51], %swap3A_54 {strides = array<i32>} : memref<4x128xi32, #tpu.memory_space<vmem>>, vector<1x16xi32>,
    %get3A_55 = arith.constant 96 : index
    %get3A_56 = tpu.vector_load %arg6[%get3A_55] {strides = array<i32>} : memref<512xi32, #tpu.memory_space<vmem>>, vector<16xi32>,
    %get3A_57 = vector.shape_cast %get3A_56 : vector<16xi32> to vector<16xi32>
    %swap3A_58 = arith.constant 0 : i32
    %swap3A_59 = arith.index_cast %swap3A_58 : i32 to index
    %swap3A_60 = arith.constant 96 : index
    %swap3A_61 = tpu.vector_load %arg8[%swap3A_59, %swap3A_60] {strides = array<i32>} : memref<4x128xi32, #tpu.memory_space<vmem>>, vector<1x16xi32>,
    %swap3A_62 = vector.shape_cast %swap3A_61 : vector<1x16xi32> to vector<16xi32>
    %swap3A_63 = vector.shape_cast %get3A_57 : vector<16xi32> to vector<1x16xi32>
    tpu.vector_store %arg8[%swap3A_59, %swap3A_60], %swap3A_63 {strides = array<i32>} : memref<4x128xi32, #tpu.memory_space<vmem>>, vector<1x16xi32>,
    %get3A_64 = arith.constant 112 : index
    %get3A_65 = tpu.vector_load %arg6[%get3A_64] {strides = array<i32>} : memref<512xi32, #tpu.memory_space<vmem>>, vector<16xi32>,
    %get3A_66 = vector.shape_cast %get3A_65 : vector<16xi32> to vector<16xi32>
    %swap3A_67 = arith.constant 0 : i32
    %swap3A_68 = arith.index_cast %swap3A_67 : i32 to index
    %swap3A_69 = arith.constant 112 : index
    %swap3A_70 = tpu.vector_load %arg8[%swap3A_68, %swap3A_69] {strides = array<i32>} : memref<4x128xi32, #tpu.memory_space<vmem>>, vector<1x16xi32>,
    %swap3A_71 = vector.shape_cast %swap3A_70 : vector<1x16xi32> to vector<16xi32>
    %swap3A_72 = vector.shape_cast %get3A_66 : vector<16xi32> to vector<1x16xi32>
    tpu.vector_store %arg8[%swap3A_68, %swap3A_69], %swap3A_72 {strides = array<i32>} : memref<4x128xi32, #tpu.memory_space<vmem>>, vector<1x16xi32>,
    %get3A_73 = arith.constant 128 : index
    %get3A_74 = tpu.vector_load %arg6[%get3A_73] {strides = array<i32>} : memref<512xi32, #tpu.memory_space<vmem>>, vector<16xi32>,
    %get3A_75 = vector.shape_cast %get3A_74 : vector<16xi32> to vector<16xi32>
    %swap3A_76 = arith.constant 1 : i32
    %swap3A_77 = arith.index_cast %swap3A_76 : i32 to index
    %swap3A_78 = arith.constant 0 : index
    %swap3A_79 = tpu.vector_load %arg8[%swap3A_77, %swap3A_78] {strides = array<i32>} : memref<4x128xi32, #tpu.memory_space<vmem>>, vector<1x16xi32>,
    %swap3A_80 = vector.shape_cast %swap3A_79 : vector<1x16xi32> to vector<16xi32>
    %swap3A_81 = vector.shape_cast %get3A_75 : vector<16xi32> to vector<1x16xi32>
    tpu.vector_store %arg8[%swap3A_77, %swap3A_78], %swap3A_81 {strides = array<i32>} : memref<4x128xi32, #tpu.memory_space<vmem>>, vector<1x16xi32>,
    %get3A_82 = arith.constant 144 : index
    %get3A_83 = tpu.vector_load %arg6[%get3A_82] {strides = array<i32>} : memref<512xi32, #tpu.memory_space<vmem>>, vector<16xi32>,
    %get3A_84 = vector.shape_cast %get3A_83 : vector<16xi32> to vector<16xi32>
    %swap3A_85 = arith.constant 1 : i32
    %swap3A_86 = arith.index_cast %swap3A_85 : i32 to index
    %swap3A_87 = arith.constant 16 : index
    %swap3A_88 = tpu.vector_load %arg8[%swap3A_86, %swap3A_87] {strides = array<i32>} : memref<4x128xi32, #tpu.memory_space<vmem>>, vector<1x16xi32>,
    %swap3A_89 = vector.shape_cast %swap3A_88 : vector<1x16xi32> to vector<16xi32>
    %swap3A_90 = vector.shape_cast %get3A_84 : vector<16xi32> to vector<1x16xi32>
    tpu.vector_store %arg8[%swap3A_86, %swap3A_87], %swap3A_90 {strides = array<i32>} : memref<4x128xi32, #tpu.memory_space<vmem>>, vector<1x16xi32>,
    %get3A_91 = arith.constant 160 : index
    %get3A_92 = tpu.vector_load %arg6[%get3A_91] {strides = array<i32>} : memref<512xi32, #tpu.memory_space<vmem>>, vector<16xi32>,
    %get3A_93 = vector.shape_cast %get3A_92 : vector<16xi32> to vector<16xi32>
    %swap3A_94 = arith.constant 1 : i32
    %swap3A_95 = arith.index_cast %swap3A_94 : i32 to index
    %swap3A_96 = arith.constant 32 : index
    %swap3A_97 = tpu.vector_load %arg8[%swap3A_95, %swap3A_96] {strides = array<i32>} : memref<4x128xi32, #tpu.memory_space<vmem>>, vector<1x16xi32>,
    %swap3A_98 = vector.shape_cast %swap3A_97 : vector<1x16xi32> to vector<16xi32>
    %swap3A_99 = vector.shape_cast %get3A_93 : vector<16xi32> to vector<1x16xi32>
    tpu.vector_store %arg8[%swap3A_95, %swap3A_96], %swap3A_99 {strides = array<i32>} : memref<4x128xi32, #tpu.memory_space<vmem>>, vector<1x16xi32>,
    %get3A_100 = arith.constant 176 : index
    %get3A_101 = tpu.vector_load %arg6[%get3A_100] {strides = array<i32>} : memref<512xi32, #tpu.memory_space<vmem>>, vector<16xi32>,
    %get3A_102 = vector.shape_cast %get3A_101 : vector<16xi32> to vector<16xi32>
    %swap3A_103 = arith.constant 1 : i32
    %swap3A_104 = arith.index_cast %swap3A_103 : i32 to index
    %swap3A_105 = arith.constant 48 : index
    %swap3A_106 = tpu.vector_load %arg8[%swap3A_104, %swap3A_105] {strides = array<i32>} : memref<4x128xi32, #tpu.memory_space<vmem>>, vector<1x16xi32>,
    %swap3A_107 = vector.shape_cast %swap3A_106 : vector<1x16xi32> to vector<16xi32>
    %swap3A_108 = vector.shape_cast %get3A_102 : vector<16xi32> to vector<1x16xi32>
    tpu.vector_store %arg8[%swap3A_104, %swap3A_105], %swap3A_108 {strides = array<i32>} : memref<4x128xi32, #tpu.memory_space<vmem>>, vector<1x16xi32>,
    %get3A_109 = arith.constant 192 : index
    %get3A_110 = tpu.vector_load %arg6[%get3A_109] {strides = array<i32>} : memref<512xi32, #tpu.memory_space<vmem>>, vector<16xi32>,
    %get3A_111 = vector.shape_cast %get3A_110 : vector<16xi32> to vector<16xi32>
    %swap3A_112 = arith.constant 1 : i32
    %swap3A_113 = arith.index_cast %swap3A_112 : i32 to index
    %swap3A_114 = arith.constant 64 : index
    %swap3A_115 = tpu.vector_load %arg8[%swap3A_113, %swap3A_114] {strides = array<i32>} : memref<4x128xi32, #tpu.memory_space<vmem>>, vector<1x16xi32>,
    %swap3A_116 = vector.shape_cast %swap3A_115 : vector<1x16xi32> to vector<16xi32>
    %swap3A_117 = vector.shape_cast %get3A_111 : vector<16xi32> to vector<1x16xi32>
    tpu.vector_store %arg8[%swap3A_113, %swap3A_114], %swap3A_117 {strides = array<i32>} : memref<4x128xi32, #tpu.memory_space<vmem>>, vector<1x16xi32>,
    %get3A_118 = arith.constant 208 : index
    %get3A_119 = tpu.vector_load %arg6[%get3A_118] {strides = array<i32>} : memref<512xi32, #tpu.memory_space<vmem>>, vector<16xi32>,
    %get3A_120 = vector.shape_cast %get3A_119 : vector<16xi32> to vector<16xi32>
    %swap3A_121 = arith.constant 1 : i32
    %swap3A_122 = arith.index_cast %swap3A_121 : i32 to index
    %swap3A_123 = arith.constant 80 : index
    %swap3A_124 = tpu.vector_load %arg8[%swap3A_122, %swap3A_123] {strides = array<i32>} : memref<4x128xi32, #tpu.memory_space<vmem>>, vector<1x16xi32>,
    %swap3A_125 = vector.shape_cast %swap3A_124 : vector<1x16xi32> to vector<16xi32>
    %swap3A_126 = vector.shape_cast %get3A_120 : vector<16xi32> to vector<1x16xi32>
    tpu.vector_store %arg8[%swap3A_122, %swap3A_123], %swap3A_126 {strides = array<i32>} : memref<4x128xi32, #tpu.memory_space<vmem>>, vector<1x16xi32>,
    %get3A_127 = arith.constant 224 : index
    %get3A_128 = tpu.vector_load %arg6[%get3A_127] {strides = array<i32>} : memref<512xi32, #tpu.memory_space<vmem>>, vector<16xi32>,
    %get3A_129 = vector.shape_cast %get3A_128 : vector<16xi32> to vector<16xi32>
    %swap3A_130 = arith.constant 1 : i32
    %swap3A_131 = arith.index_cast %swap3A_130 : i32 to index
    %swap3A_132 = arith.constant 96 : index
    %swap3A_133 = tpu.vector_load %arg8[%swap3A_131, %swap3A_132] {strides = array<i32>} : memref<4x128xi32, #tpu.memory_space<vmem>>, vector<1x16xi32>,
    %swap3A_134 = vector.shape_cast %swap3A_133 : vector<1x16xi32> to vector<16xi32>
    %swap3A_135 = vector.shape_cast %get3A_129 : vector<16xi32> to vector<1x16xi32>
    tpu.vector_store %arg8[%swap3A_131, %swap3A_132], %swap3A_135 {strides = array<i32>} : memref<4x128xi32, #tpu.memory_space<vmem>>, vector<1x16xi32>,
    %get3A_136 = arith.constant 240 : index
    %get3A_137 = tpu.vector_load %arg6[%get3A_136] {strides = array<i32>} : memref<512xi32, #tpu.memory_space<vmem>>, vector<16xi32>,
    %get3A_138 = vector.shape_cast %get3A_137 : vector<16xi32> to vector<16xi32>
    %swap3A_139 = arith.constant 1 : i32
    %swap3A_140 = arith.index_cast %swap3A_139 : i32 to index
    %swap3A_141 = arith.constant 112 : index
    %swap3A_142 = tpu.vector_load %arg8[%swap3A_140, %swap3A_141] {strides = array<i32>} : memref<4x128xi32, #tpu.memory_space<vmem>>, vector<1x16xi32>,
    %swap3A_143 = vector.shape_cast %swap3A_142 : vector<1x16xi32> to vector<16xi32>
    %swap3A_144 = vector.shape_cast %get3A_138 : vector<16xi32> to vector<1x16xi32>
    tpu.vector_store %arg8[%swap3A_140, %swap3A_141], %swap3A_144 {strides = array<i32>} : memref<4x128xi32, #tpu.memory_space<vmem>>, vector<1x16xi32>,
    %get3A_145 = arith.constant 256 : index
    %get3A_146 = tpu.vector_load %arg6[%get3A_145] {strides = array<i32>} : memref<512xi32, #tpu.memory_space<vmem>>, vector<16xi32>,
    %get3A_147 = vector.shape_cast %get3A_146 : vector<16xi32> to vector<16xi32>
    %swap3A_148 = arith.constant 2 : i32
    %swap3A_149 = arith.index_cast %swap3A_148 : i32 to index
    %swap3A_150 = arith.constant 0 : index
    %swap3A_151 = tpu.vector_load %arg8[%swap3A_149, %swap3A_150] {strides = array<i32>} : memref<4x128xi32, #tpu.memory_space<vmem>>, vector<1x16xi32>,
    %swap3A_152 = vector.shape_cast %swap3A_151 : vector<1x16xi32> to vector<16xi32>
    %swap3A_153 = vector.shape_cast %get3A_147 : vector<16xi32> to vector<1x16xi32>
    tpu.vector_store %arg8[%swap3A_149, %swap3A_150], %swap3A_153 {strides = array<i32>} : memref<4x128xi32, #tpu.memory_space<vmem>>, vector<1x16xi32>,
    %get3A_154 = arith.constant 272 : index
    %get3A_155 = tpu.vector_load %arg6[%get3A_154] {strides = array<i32>} : memref<512xi32, #tpu.memory_space<vmem>>, vector<16xi32>,
    %get3A_156 = vector.shape_cast %get3A_155 : vector<16xi32> to vector<16xi32>
    %swap3A_157 = arith.constant 2 : i32
    %swap3A_158 = arith.index_cast %swap3A_157 : i32 to index
    %swap3A_159 = arith.constant 16 : index
    %swap3A_160 = tpu.vector_load %arg8[%swap3A_158, %swap3A_159] {strides = array<i32>} : memref<4x128xi32, #tpu.memory_space<vmem>>, vector<1x16xi32>,
    %swap3A_161 = vector.shape_cast %swap3A_160 : vector<1x16xi32> to vector<16xi32>
    %swap3A_162 = vector.shape_cast %get3A_156 : vector<16xi32> to vector<1x16xi32>
    tpu.vector_store %arg8[%swap3A_158, %swap3A_159], %swap3A_162 {strides = array<i32>} : memref<4x128xi32, #tpu.memory_space<vmem>>, vector<1x16xi32>,
    %get3A_163 = arith.constant 288 : index
    %get3A_164 = tpu.vector_load %arg6[%get3A_163] {strides = array<i32>} : memref<512xi32, #tpu.memory_space<vmem>>, vector<16xi32>,
    %get3A_165 = vector.shape_cast %get3A_164 : vector<16xi32> to vector<16xi32>
    %swap3A_166 = arith.constant 2 : i32
    %swap3A_167 = arith.index_cast %swap3A_166 : i32 to index
    %swap3A_168 = arith.constant 32 : index
    %swap3A_169 = tpu.vector_load %arg8[%swap3A_167, %swap3A_168] {strides = array<i32>} : memref<4x128xi32, #tpu.memory_space<vmem>>, vector<1x16xi32>,
    %swap3A_170 = vector.shape_cast %swap3A_169 : vector<1x16xi32> to vector<16xi32>
    %swap3A_171 = vector.shape_cast %get3A_165 : vector<16xi32> to vector<1x16xi32>
    tpu.vector_store %arg8[%swap3A_167, %swap3A_168], %swap3A_171 {strides = array<i32>} : memref<4x128xi32, #tpu.memory_space<vmem>>, vector<1x16xi32>,
    %get3A_172 = arith.constant 304 : index
    %get3A_173 = tpu.vector_load %arg6[%get3A_172] {strides = array<i32>} : memref<512xi32, #tpu.memory_space<vmem>>, vector<16xi32>,
    %get3A_174 = vector.shape_cast %get3A_173 : vector<16xi32> to vector<16xi32>
    %swap3A_175 = arith.constant 2 : i32
    %swap3A_176 = arith.index_cast %swap3A_175 : i32 to index
    %swap3A_177 = arith.constant 48 : index
    %swap3A_178 = tpu.vector_load %arg8[%swap3A_176, %swap3A_177] {strides = array<i32>} : memref<4x128xi32, #tpu.memory_space<vmem>>, vector<1x16xi32>,
    %swap3A_179 = vector.shape_cast %swap3A_178 : vector<1x16xi32> to vector<16xi32>
    %swap3A_180 = vector.shape_cast %get3A_174 : vector<16xi32> to vector<1x16xi32>
    tpu.vector_store %arg8[%swap3A_176, %swap3A_177], %swap3A_180 {strides = array<i32>} : memref<4x128xi32, #tpu.memory_space<vmem>>, vector<1x16xi32>,
    %get3A_181 = arith.constant 320 : index
    %get3A_182 = tpu.vector_load %arg6[%get3A_181] {strides = array<i32>} : memref<512xi32, #tpu.memory_space<vmem>>, vector<16xi32>,
    %get3A_183 = vector.shape_cast %get3A_182 : vector<16xi32> to vector<16xi32>
    %swap3A_184 = arith.constant 2 : i32
    %swap3A_185 = arith.index_cast %swap3A_184 : i32 to index
    %swap3A_186 = arith.constant 64 : index
    %swap3A_187 = tpu.vector_load %arg8[%swap3A_185, %swap3A_186] {strides = array<i32>} : memref<4x128xi32, #tpu.memory_space<vmem>>, vector<1x16xi32>,
    %swap3A_188 = vector.shape_cast %swap3A_187 : vector<1x16xi32> to vector<16xi32>
    %swap3A_189 = vector.shape_cast %get3A_183 : vector<16xi32> to vector<1x16xi32>
    tpu.vector_store %arg8[%swap3A_185, %swap3A_186], %swap3A_189 {strides = array<i32>} : memref<4x128xi32, #tpu.memory_space<vmem>>, vector<1x16xi32>,
    %get3A_190 = arith.constant 336 : index
    %get3A_191 = tpu.vector_load %arg6[%get3A_190] {strides = array<i32>} : memref<512xi32, #tpu.memory_space<vmem>>, vector<16xi32>,
    %get3A_192 = vector.shape_cast %get3A_191 : vector<16xi32> to vector<16xi32>
    %swap3A_193 = arith.constant 2 : i32
    %swap3A_194 = arith.index_cast %swap3A_193 : i32 to index
    %swap3A_195 = arith.constant 80 : index
    %swap3A_196 = tpu.vector_load %arg8[%swap3A_194, %swap3A_195] {strides = array<i32>} : memref<4x128xi32, #tpu.memory_space<vmem>>, vector<1x16xi32>,
    %swap3A_197 = vector.shape_cast %swap3A_196 : vector<1x16xi32> to vector<16xi32>
    %swap3A_198 = vector.shape_cast %get3A_192 : vector<16xi32> to vector<1x16xi32>
    tpu.vector_store %arg8[%swap3A_194, %swap3A_195], %swap3A_198 {strides = array<i32>} : memref<4x128xi32, #tpu.memory_space<vmem>>, vector<1x16xi32>,
    %get3A_199 = arith.constant 352 : index
    %get3A_200 = tpu.vector_load %arg6[%get3A_199] {strides = array<i32>} : memref<512xi32, #tpu.memory_space<vmem>>, vector<16xi32>,
    %get3A_201 = vector.shape_cast %get3A_200 : vector<16xi32> to vector<16xi32>
    %swap3A_202 = arith.constant 2 : i32
    %swap3A_203 = arith.index_cast %swap3A_202 : i32 to index
    %swap3A_204 = arith.constant 96 : index
    %swap3A_205 = tpu.vector_load %arg8[%swap3A_203, %swap3A_204] {strides = array<i32>} : memref<4x128xi32, #tpu.memory_space<vmem>>, vector<1x16xi32>,
    %swap3A_206 = vector.shape_cast %swap3A_205 : vector<1x16xi32> to vector<16xi32>
    %swap3A_207 = vector.shape_cast %get3A_201 : vector<16xi32> to vector<1x16xi32>
    tpu.vector_store %arg8[%swap3A_203, %swap3A_204], %swap3A_207 {strides = array<i32>} : memref<4x128xi32, #tpu.memory_space<vmem>>, vector<1x16xi32>,
    %get3A_208 = arith.constant 368 : index
    %get3A_209 = tpu.vector_load %arg6[%get3A_208] {strides = array<i32>} : memref<512xi32, #tpu.memory_space<vmem>>, vector<16xi32>,
    %get3A_210 = vector.shape_cast %get3A_209 : vector<16xi32> to vector<16xi32>
    %swap3A_211 = arith.constant 2 : i32
    %swap3A_212 = arith.index_cast %swap3A_211 : i32 to index
    %swap3A_213 = arith.constant 112 : index
    %swap3A_214 = tpu.vector_load %arg8[%swap3A_212, %swap3A_213] {strides = array<i32>} : memref<4x128xi32, #tpu.memory_space<vmem>>, vector<1x16xi32>,
    %swap3A_215 = vector.shape_cast %swap3A_214 : vector<1x16xi32> to vector<16xi32>
    %swap3A_216 = vector.shape_cast %get3A_210 : vector<16xi32> to vector<1x16xi32>
    tpu.vector_store %arg8[%swap3A_212, %swap3A_213], %swap3A_216 {strides = array<i32>} : memref<4x128xi32, #tpu.memory_space<vmem>>, vector<1x16xi32>,
    %get3A_217 = arith.constant 384 : index
    %get3A_218 = tpu.vector_load %arg6[%get3A_217] {strides = array<i32>} : memref<512xi32, #tpu.memory_space<vmem>>, vector<16xi32>,
    %get3A_219 = vector.shape_cast %get3A_218 : vector<16xi32> to vector<16xi32>
    %swap3A_220 = arith.constant 3 : i32
    %swap3A_221 = arith.index_cast %swap3A_220 : i32 to index
    %swap3A_222 = arith.constant 0 : index
    %swap3A_223 = tpu.vector_load %arg8[%swap3A_221, %swap3A_222] {strides = array<i32>} : memref<4x128xi32, #tpu.memory_space<vmem>>, vector<1x16xi32>,
    %swap3A_224 = vector.shape_cast %swap3A_223 : vector<1x16xi32> to vector<16xi32>
    %swap3A_225 = vector.shape_cast %get3A_219 : vector<16xi32> to vector<1x16xi32>
    tpu.vector_store %arg8[%swap3A_221, %swap3A_222], %swap3A_225 {strides = array<i32>} : memref<4x128xi32, #tpu.memory_space<vmem>>, vector<1x16xi32>,
    %get3A_226 = arith.constant 400 : index
    %get3A_227 = tpu.vector_load %arg6[%get3A_226] {strides = array<i32>} : memref<512xi32, #tpu.memory_space<vmem>>, vector<16xi32>,
    %get3A_228 = vector.shape_cast %get3A_227 : vector<16xi32> to vector<16xi32>
    %swap3A_229 = arith.constant 3 : i32
    %swap3A_230 = arith.index_cast %swap3A_229 : i32 to index
    %swap3A_231 = arith.constant 16 : index
    %swap3A_232 = tpu.vector_load %arg8[%swap3A_230, %swap3A_231] {strides = array<i32>} : memref<4x128xi32, #tpu.memory_space<vmem>>, vector<1x16xi32>,
    %swap3A_233 = vector.shape_cast %swap3A_232 : vector<1x16xi32> to vector<16xi32>
    %swap3A_234 = vector.shape_cast %get3A_228 : vector<16xi32> to vector<1x16xi32>
    tpu.vector_store %arg8[%swap3A_230, %swap3A_231], %swap3A_234 {strides = array<i32>} : memref<4x128xi32, #tpu.memory_space<vmem>>, vector<1x16xi32>,
    %get3A_235 = arith.constant 416 : index
    %get3A_236 = tpu.vector_load %arg6[%get3A_235] {strides = array<i32>} : memref<512xi32, #tpu.memory_space<vmem>>, vector<16xi32>,
    %get3A_237 = vector.shape_cast %get3A_236 : vector<16xi32> to vector<16xi32>
    %swap3A_238 = arith.constant 3 : i32
    %swap3A_239 = arith.index_cast %swap3A_238 : i32 to index
    %swap3A_240 = arith.constant 32 : index
    %swap3A_241 = tpu.vector_load %arg8[%swap3A_239, %swap3A_240] {strides = array<i32>} : memref<4x128xi32, #tpu.memory_space<vmem>>, vector<1x16xi32>,
    %swap3A_242 = vector.shape_cast %swap3A_241 : vector<1x16xi32> to vector<16xi32>
    %swap3A_243 = vector.shape_cast %get3A_237 : vector<16xi32> to vector<1x16xi32>
    tpu.vector_store %arg8[%swap3A_239, %swap3A_240], %swap3A_243 {strides = array<i32>} : memref<4x128xi32, #tpu.memory_space<vmem>>, vector<1x16xi32>,
    %get3A_244 = arith.constant 432 : index
    %get3A_245 = tpu.vector_load %arg6[%get3A_244] {strides = array<i32>} : memref<512xi32, #tpu.memory_space<vmem>>, vector<16xi32>,
    %get3A_246 = vector.shape_cast %get3A_245 : vector<16xi32> to vector<16xi32>
    %swap3A_247 = arith.constant 3 : i32
    %swap3A_248 = arith.index_cast %swap3A_247 : i32 to index
    %swap3A_249 = arith.constant 48 : index
    %swap3A_250 = tpu.vector_load %arg8[%swap3A_248, %swap3A_249] {strides = array<i32>} : memref<4x128xi32, #tpu.memory_space<vmem>>, vector<1x16xi32>,
    %swap3A_251 = vector.shape_cast %swap3A_250 : vector<1x16xi32> to vector<16xi32>
    %swap3A_252 = vector.shape_cast %get3A_246 : vector<16xi32> to vector<1x16xi32>
    tpu.vector_store %arg8[%swap3A_248, %swap3A_249], %swap3A_252 {strides = array<i32>} : memref<4x128xi32, #tpu.memory_space<vmem>>, vector<1x16xi32>,
    %get3A_253 = arith.constant 448 : index
    %get3A_254 = tpu.vector_load %arg6[%get3A_253] {strides = array<i32>} : memref<512xi32, #tpu.memory_space<vmem>>, vector<16xi32>,
    %get3A_255 = vector.shape_cast %get3A_254 : vector<16xi32> to vector<16xi32>
    %swap3A_256 = arith.constant 3 : i32
    %swap3A_257 = arith.index_cast %swap3A_256 : i32 to index
    %swap3A_258 = arith.constant 64 : index
    %swap3A_259 = tpu.vector_load %arg8[%swap3A_257, %swap3A_258] {strides = array<i32>} : memref<4x128xi32, #tpu.memory_space<vmem>>, vector<1x16xi32>,
    %swap3A_260 = vector.shape_cast %swap3A_259 : vector<1x16xi32> to vector<16xi32>
    %swap3A_261 = vector.shape_cast %get3A_255 : vector<16xi32> to vector<1x16xi32>
    tpu.vector_store %arg8[%swap3A_257, %swap3A_258], %swap3A_261 {strides = array<i32>} : memref<4x128xi32, #tpu.memory_space<vmem>>, vector<1x16xi32>,
    %get3A_262 = arith.constant 464 : index
    %get3A_263 = tpu.vector_load %arg6[%get3A_262] {strides = array<i32>} : memref<512xi32, #tpu.memory_space<vmem>>, vector<16xi32>,
    %get3A_264 = vector.shape_cast %get3A_263 : vector<16xi32> to vector<16xi32>
    %swap3A_265 = arith.constant 3 : i32
    %swap3A_266 = arith.index_cast %swap3A_265 : i32 to index
    %swap3A_267 = arith.constant 80 : index
    %swap3A_268 = tpu.vector_load %arg8[%swap3A_266, %swap3A_267] {strides = array<i32>} : memref<4x128xi32, #tpu.memory_space<vmem>>, vector<1x16xi32>,
    %swap3A_269 = vector.shape_cast %swap3A_268 : vector<1x16xi32> to vector<16xi32>
    %swap3A_270 = vector.shape_cast %get3A_264 : vector<16xi32> to vector<1x16xi32>
    tpu.vector_store %arg8[%swap3A_266, %swap3A_267], %swap3A_270 {strides = array<i32>} : memref<4x128xi32, #tpu.memory_space<vmem>>, vector<1x16xi32>,
    %get3A_271 = arith.constant 480 : index
    %get3A_272 = tpu.vector_load %arg6[%get3A_271] {strides = array<i32>} : memref<512xi32, #tpu.memory_space<vmem>>, vector<16xi32>,
    %get3A_273 = vector.shape_cast %get3A_272 : vector<16xi32> to vector<16xi32>
    %swap3A_274 = arith.constant 3 : i32
    %swap3A_275 = arith.index_cast %swap3A_274 : i32 to index
    %swap3A_276 = arith.constant 96 : index
    %swap3A_277 = tpu.vector_load %arg8[%swap3A_275, %swap3A_276] {strides = array<i32>} : memref<4x128xi32, #tpu.memory_space<vmem>>, vector<1x16xi32>,
    %swap3A_278 = vector.shape_cast %swap3A_277 : vector<1x16xi32> to vector<16xi32>
    %swap3A_279 = vector.shape_cast %get3A_273 : vector<16xi32> to vector<1x16xi32>
    tpu.vector_store %arg8[%swap3A_275, %swap3A_276], %swap3A_279 {strides = array<i32>} : memref<4x128xi32, #tpu.memory_space<vmem>>, vector<1x16xi32>,
    %get3A_280 = arith.constant 496 : index
    %get3A_281 = tpu.vector_load %arg6[%get3A_280] {strides = array<i32>} : memref<512xi32, #tpu.memory_space<vmem>>, vector<16xi32>,
    %get3A_282 = vector.shape_cast %get3A_281 : vector<16xi32> to vector<16xi32>
    %swap3A_283 = arith.constant 3 : i32
    %swap3A_284 = arith.index_cast %swap3A_283 : i32 to index
    %swap3A_285 = arith.constant 112 : index
    %swap3A_286 = tpu.vector_load %arg8[%swap3A_284, %swap3A_285] {strides = array<i32>} : memref<4x128xi32, #tpu.memory_space<vmem>>, vector<1x16xi32>,
    %swap3A_287 = vector.shape_cast %swap3A_286 : vector<1x16xi32> to vector<16xi32>
    %swap3A_288 = vector.shape_cast %get3A_282 : vector<16xi32> to vector<1x16xi32>
    tpu.vector_store %arg8[%swap3A_284, %swap3A_285], %swap3A_288 {strides = array<i32>} : memref<4x128xi32, #tpu.memory_space<vmem>>, vector<1x16xi32>,
    %dma_start3A = arith.constant 0 : i32
    %dma_start3A_289 = arith.constant 0 : i32
    %dma_start3A_290 = arith.constant 0 : i32
    %dma_start3A_291 = tpu.memref_slice %arg10[%dma_start3A_289, %dma_start3A_290] : memref<512x64xf32, #tpu.memory_space<vmem>> -> memref<128x64xf32, #tpu.memory_space<vmem>>
    %dma_start3A_292 = arith.constant 0 : i32
    %dma_start3A_293 = tpu.memref_slice %arg8[%dma_start3A, %dma_start3A_292] : memref<4x128xi32, #tpu.memory_space<vmem>> -> memref<1x128xi32, #tpu.memory_space<vmem>>
    %dma_start3A_294 = tpu.memref_squeeze %dma_start3A_293 : memref<1x128xi32, #tpu.memory_space<vmem>> -> memref<128xi32, #tpu.memory_space<vmem>>
    %dma_start3A_295 = arith.constant 0 : i32
    %dma_start3A_296 = arith.constant 0 : i32
    %dma_start3A_297 = tpu.memref_slice %arg4[%dma_start3A_295, %dma_start3A_296] : memref<100001x64xf32, #tpu.memory_space<hbm>> -> memref<100001x64xf32, #tpu.memory_space<hbm>>
    tpu.enqueue_indirect_dma source(%dma_start3A_297 : memref<100001x64xf32, #tpu.memory_space<hbm>>) target(%dma_start3A_291 : memref<128x64xf32, #tpu.memory_space<vmem>>) offsets(%dma_start3A_294 : memref<128xi32, #tpu.memory_space<vmem>>) semaphore(%arg11 : memref<!tpu.dma_semaphore, #tpu.memory_space<semaphore_mem>>)
    %dma_start3A_298 = arith.constant 1 : i32
    %dma_start3A_299 = arith.constant 128 : i32
    %dma_start3A_300 = arith.constant 0 : i32
    %dma_start3A_301 = tpu.memref_slice %arg10[%dma_start3A_299, %dma_start3A_300] : memref<512x64xf32, #tpu.memory_space<vmem>> -> memref<128x64xf32, #tpu.memory_space<vmem>>
    %dma_start3A_302 = arith.constant 0 : i32
    %dma_start3A_303 = tpu.memref_slice %arg8[%dma_start3A_298, %dma_start3A_302] : memref<4x128xi32, #tpu.memory_space<vmem>> -> memref<1x128xi32, #tpu.memory_space<vmem>>
    %dma_start3A_304 = tpu.memref_squeeze %dma_start3A_303 : memref<1x128xi32, #tpu.memory_space<vmem>> -> memref<128xi32, #tpu.memory_space<vmem>>
    %dma_start3A_305 = arith.constant 0 : i32
    %dma_start3A_306 = arith.constant 0 : i32
    %dma_start3A_307 = tpu.memref_slice %arg4[%dma_start3A_305, %dma_start3A_306] : memref<100001x64xf32, #tpu.memory_space<hbm>> -> memref<100001x64xf32, #tpu.memory_space<hbm>>
    tpu.enqueue_indirect_dma source(%dma_start3A_307 : memref<100001x64xf32, #tpu.memory_space<hbm>>) target(%dma_start3A_301 : memref<128x64xf32, #tpu.memory_space<vmem>>) offsets(%dma_start3A_304 : memref<128xi32, #tpu.memory_space<vmem>>) semaphore(%arg11 : memref<!tpu.dma_semaphore, #tpu.memory_space<semaphore_mem>>)
    %dma_start3A_308 = arith.constant 2 : i32
    %dma_start3A_309 = arith.constant 256 : i32
    %dma_start3A_310 = arith.constant 0 : i32
    %dma_start3A_311 = tpu.memref_slice %arg10[%dma_start3A_309, %dma_start3A_310] : memref<512x64xf32, #tpu.memory_space<vmem>> -> memref<128x64xf32, #tpu.memory_space<vmem>>
    %dma_start3A_312 = arith.constant 0 : i32
    %dma_start3A_313 = tpu.memref_slice %arg8[%dma_start3A_308, %dma_start3A_312] : memref<4x128xi32, #tpu.memory_space<vmem>> -> memref<1x128xi32, #tpu.memory_space<vmem>>
    %dma_start3A_314 = tpu.memref_squeeze %dma_start3A_313 : memref<1x128xi32, #tpu.memory_space<vmem>> -> memref<128xi32, #tpu.memory_space<vmem>>
    %dma_start3A_315 = arith.constant 0 : i32
    %dma_start3A_316 = arith.constant 0 : i32
    %dma_start3A_317 = tpu.memref_slice %arg4[%dma_start3A_315, %dma_start3A_316] : memref<100001x64xf32, #tpu.memory_space<hbm>> -> memref<100001x64xf32, #tpu.memory_space<hbm>>
    tpu.enqueue_indirect_dma source(%dma_start3A_317 : memref<100001x64xf32, #tpu.memory_space<hbm>>) target(%dma_start3A_311 : memref<128x64xf32, #tpu.memory_space<vmem>>) offsets(%dma_start3A_314 : memref<128xi32, #tpu.memory_space<vmem>>) semaphore(%arg11 : memref<!tpu.dma_semaphore, #tpu.memory_space<semaphore_mem>>)
    %dma_start3A_318 = arith.constant 3 : i32
    %dma_start3A_319 = arith.constant 384 : i32
    %dma_start3A_320 = arith.constant 0 : i32
    %dma_start3A_321 = tpu.memref_slice %arg10[%dma_start3A_319, %dma_start3A_320] : memref<512x64xf32, #tpu.memory_space<vmem>> -> memref<128x64xf32, #tpu.memory_space<vmem>>
    %dma_start3A_322 = arith.constant 0 : i32
    %dma_start3A_323 = tpu.memref_slice %arg8[%dma_start3A_318, %dma_start3A_322] : memref<4x128xi32, #tpu.memory_space<vmem>> -> memref<1x128xi32, #tpu.memory_space<vmem>>
    %dma_start3A_324 = tpu.memref_squeeze %dma_start3A_323 : memref<1x128xi32, #tpu.memory_space<vmem>> -> memref<128xi32, #tpu.memory_space<vmem>>
    %dma_start3A_325 = arith.constant 0 : i32
    %dma_start3A_326 = arith.constant 0 : i32
    %dma_start3A_327 = tpu.memref_slice %arg4[%dma_start3A_325, %dma_start3A_326] : memref<100001x64xf32, #tpu.memory_space<hbm>> -> memref<100001x64xf32, #tpu.memory_space<hbm>>
    tpu.enqueue_indirect_dma source(%dma_start3A_327 : memref<100001x64xf32, #tpu.memory_space<hbm>>) target(%dma_start3A_321 : memref<128x64xf32, #tpu.memory_space<vmem>>) offsets(%dma_start3A_324 : memref<128xi32, #tpu.memory_space<vmem>>) semaphore(%arg11 : memref<!tpu.dma_semaphore, #tpu.memory_space<semaphore_mem>>)
    %dma_start3A_328 = arith.constant 100000 : i32
    %dma_start3A_329 = arith.constant 0 : i32
    %dma_start3A_330 = tpu.memref_slice %arg4[%dma_start3A_328, %dma_start3A_329] : memref<100001x64xf32, #tpu.memory_space<hbm>> -> memref<1x64xf32, #tpu.memory_space<hbm>>
    %dma_start3A_331 = arith.constant 100000 : i32
    %dma_start3A_332 = arith.constant 0 : i32
    %dma_start3A_333 = tpu.memref_slice %arg4[%dma_start3A_331, %dma_start3A_332] : memref<100001x64xf32, #tpu.memory_space<hbm>> -> memref<1x64xf32, #tpu.memory_space<hbm>>
    tpu.enqueue_dma source(%dma_start3A_333 : memref<1x64xf32, #tpu.memory_space<hbm>>) target(%arg9 : memref<1x64xf32, #tpu.memory_space<vmem>>) target_semaphore(%arg12 : memref<!tpu.dma_semaphore, #tpu.memory_space<semaphore_mem>>)
    %dma_wait3A = arith.constant 100000 : i32
    %dma_wait3A_334 = arith.constant 0 : i32
    %dma_wait3A_335 = tpu.memref_slice %arg4[%dma_wait3A, %dma_wait3A_334] : memref<100001x64xf32, #tpu.memory_space<hbm>> -> memref<1x64xf32, #tpu.memory_space<hbm>>
    %dma_wait3A_336 = arith.constant 100000 : i32
    %dma_wait3A_337 = arith.constant 0 : i32
    %dma_wait3A_338 = tpu.memref_slice %arg4[%dma_wait3A_336, %dma_wait3A_337] : memref<100001x64xf32, #tpu.memory_space<hbm>> -> memref<1x64xf32, #tpu.memory_space<hbm>>
    tpu.wait_dma2 semaphore(%arg12 : memref<!tpu.dma_semaphore, #tpu.memory_space<semaphore_mem>>) src(%dma_wait3A_338 : memref<1x64xf32, #tpu.memory_space<hbm>>) dst(%arg9 : memref<1x64xf32, #tpu.memory_space<vmem>>)
    %dma_wait3A_339 = arith.constant 0 : i32
    %dma_wait3A_340 = arith.constant 0 : i32
    %dma_wait3A_341 = arith.constant 0 : i32
    %dma_wait3A_342 = tpu.memref_slice %arg10[%dma_wait3A_340, %dma_wait3A_341] : memref<512x64xf32, #tpu.memory_space<vmem>> -> memref<128x64xf32, #tpu.memory_space<vmem>>
    %dma_wait3A_343 = arith.constant 0 : i32
    %dma_wait3A_344 = tpu.memref_slice %arg8[%dma_wait3A_339, %dma_wait3A_343] : memref<4x128xi32, #tpu.memory_space<vmem>> -> memref<1x128xi32, #tpu.memory_space<vmem>>
    %dma_wait3A_345 = tpu.memref_squeeze %dma_wait3A_344 : memref<1x128xi32, #tpu.memory_space<vmem>> -> memref<128xi32, #tpu.memory_space<vmem>>
    %dma_wait3A_346 = arith.constant 0 : i32
    %dma_wait3A_347 = arith.constant 0 : i32
    %dma_wait3A_348 = tpu.memref_slice %arg4[%dma_wait3A_346, %dma_wait3A_347] : memref<100001x64xf32, #tpu.memory_space<hbm>> -> memref<100001x64xf32, #tpu.memory_space<hbm>>
    tpu.wait_indirect_dma semaphore(%arg11 : memref<!tpu.dma_semaphore, #tpu.memory_space<semaphore_mem>>) src(%dma_wait3A_348 : memref<100001x64xf32, #tpu.memory_space<hbm>>) dst(%dma_wait3A_342 : memref<128x64xf32, #tpu.memory_space<vmem>>)
    %dma_wait3A_349 = arith.constant 1 : i32
    %dma_wait3A_350 = arith.constant 128 : i32
    %dma_wait3A_351 = arith.constant 0 : i32
    %dma_wait3A_352 = tpu.memref_slice %arg10[%dma_wait3A_350, %dma_wait3A_351] : memref<512x64xf32, #tpu.memory_space<vmem>> -> memref<128x64xf32, #tpu.memory_space<vmem>>
    %dma_wait3A_353 = arith.constant 0 : i32
    %dma_wait3A_354 = tpu.memref_slice %arg8[%dma_wait3A_349, %dma_wait3A_353] : memref<4x128xi32, #tpu.memory_space<vmem>> -> memref<1x128xi32, #tpu.memory_space<vmem>>
    %dma_wait3A_355 = tpu.memref_squeeze %dma_wait3A_354 : memref<1x128xi32, #tpu.memory_space<vmem>> -> memref<128xi32, #tpu.memory_space<vmem>>
    %dma_wait3A_356 = arith.constant 0 : i32
    %dma_wait3A_357 = arith.constant 0 : i32
    %dma_wait3A_358 = tpu.memref_slice %arg4[%dma_wait3A_356, %dma_wait3A_357] : memref<100001x64xf32, #tpu.memory_space<hbm>> -> memref<100001x64xf32, #tpu.memory_space<hbm>>
    tpu.wait_indirect_dma semaphore(%arg11 : memref<!tpu.dma_semaphore, #tpu.memory_space<semaphore_mem>>) src(%dma_wait3A_358 : memref<100001x64xf32, #tpu.memory_space<hbm>>) dst(%dma_wait3A_352 : memref<128x64xf32, #tpu.memory_space<vmem>>)
    %dma_wait3A_359 = arith.constant 2 : i32
    %dma_wait3A_360 = arith.constant 256 : i32
    %dma_wait3A_361 = arith.constant 0 : i32
    %dma_wait3A_362 = tpu.memref_slice %arg10[%dma_wait3A_360, %dma_wait3A_361] : memref<512x64xf32, #tpu.memory_space<vmem>> -> memref<128x64xf32, #tpu.memory_space<vmem>>
    %dma_wait3A_363 = arith.constant 0 : i32
    %dma_wait3A_364 = tpu.memref_slice %arg8[%dma_wait3A_359, %dma_wait3A_363] : memref<4x128xi32, #tpu.memory_space<vmem>> -> memref<1x128xi32, #tpu.memory_space<vmem>>
    %dma_wait3A_365 = tpu.memref_squeeze %dma_wait3A_364 : memref<1x128xi32, #tpu.memory_space<vmem>> -> memref<128xi32, #tpu.memory_space<vmem>>
    %dma_wait3A_366 = arith.constant 0 : i32
    %dma_wait3A_367 = arith.constant 0 : i32
    %dma_wait3A_368 = tpu.memref_slice %arg4[%dma_wait3A_366, %dma_wait3A_367] : memref<100001x64xf32, #tpu.memory_space<hbm>> -> memref<100001x64xf32, #tpu.memory_space<hbm>>
    tpu.wait_indirect_dma semaphore(%arg11 : memref<!tpu.dma_semaphore, #tpu.memory_space<semaphore_mem>>) src(%dma_wait3A_368 : memref<100001x64xf32, #tpu.memory_space<hbm>>) dst(%dma_wait3A_362 : memref<128x64xf32, #tpu.memory_space<vmem>>)
    %dma_wait3A_369 = arith.constant 3 : i32
    %dma_wait3A_370 = arith.constant 384 : i32
    %dma_wait3A_371 = arith.constant 0 : i32
    %dma_wait3A_372 = tpu.memref_slice %arg10[%dma_wait3A_370, %dma_wait3A_371] : memref<512x64xf32, #tpu.memory_space<vmem>> -> memref<128x64xf32, #tpu.memory_space<vmem>>
    %dma_wait3A_373 = arith.constant 0 : i32
    %dma_wait3A_374 = tpu.memref_slice %arg8[%dma_wait3A_369, %dma_wait3A_373] : memref<4x128xi32, #tpu.memory_space<vmem>> -> memref<1x128xi32, #tpu.memory_space<vmem>>
    %dma_wait3A_375 = tpu.memref_squeeze %dma_wait3A_374 : memref<1x128xi32, #tpu.memory_space<vmem>> -> memref<128xi32, #tpu.memory_space<vmem>>
    %dma_wait3A_376 = arith.constant 0 : i32
    %dma_wait3A_377 = arith.constant 0 : i32
    %dma_wait3A_378 = tpu.memref_slice %arg4[%dma_wait3A_376, %dma_wait3A_377] : memref<100001x64xf32, #tpu.memory_space<hbm>> -> memref<100001x64xf32, #tpu.memory_space<hbm>>
    tpu.wait_indirect_dma semaphore(%arg11 : memref<!tpu.dma_semaphore, #tpu.memory_space<semaphore_mem>>) src(%dma_wait3A_378 : memref<100001x64xf32, #tpu.memory_space<hbm>>) dst(%dma_wait3A_372 : memref<128x64xf32, #tpu.memory_space<vmem>>)
    %get3A_379 = arith.constant 0 : i32
    %get3A_380 = arith.index_cast %get3A_379 : i32 to index
    %get3A_381 = arith.constant 0 : index
    %get3A_382 = tpu.vector_load %arg9[%get3A_380, %get3A_381] {strides = array<i32>} : memref<1x64xf32, #tpu.memory_space<vmem>>, vector<1x16xf32>,
    %get3A_383 = vector.shape_cast %get3A_382 : vector<1x16xf32> to vector<16xf32>
    %get3A_384 = arith.constant 0 : i32
    %get3A_385 = arith.index_cast %get3A_384 : i32 to index
    %get3A_386 = arith.constant 16 : index
    %get3A_387 = tpu.vector_load %arg9[%get3A_385, %get3A_386] {strides = array<i32>} : memref<1x64xf32, #tpu.memory_space<vmem>>, vector<1x16xf32>,
    %get3A_388 = vector.shape_cast %get3A_387 : vector<1x16xf32> to vector<16xf32>
    %get3A_389 = arith.constant 0 : i32
    %get3A_390 = arith.index_cast %get3A_389 : i32 to index
    %get3A_391 = arith.constant 32 : index
    %get3A_392 = tpu.vector_load %arg9[%get3A_390, %get3A_391] {strides = array<i32>} : memref<1x64xf32, #tpu.memory_space<vmem>>, vector<1x16xf32>,
    %get3A_393 = vector.shape_cast %get3A_392 : vector<1x16xf32> to vector<16xf32>
    %get3A_394 = arith.constant 0 : i32
    %get3A_395 = arith.index_cast %get3A_394 : i32 to index
    %get3A_396 = arith.constant 48 : index
    %get3A_397 = tpu.vector_load %arg9[%get3A_395, %get3A_396] {strides = array<i32>} : memref<1x64xf32, #tpu.memory_space<vmem>>, vector<1x16xf32>,
    %get3A_398 = vector.shape_cast %get3A_397 : vector<1x16xf32> to vector<16xf32>
    %scan3A = arith.constant 0 : i32
    %scan3A_399 = arith.constant 0 : i32
    %scan3A_400 = arith.constant 512 : i32
    %scan3A_401 = arith.addi %scan3A_399, %scan3A_400 : i32
    %scan3A_402 = arith.constant 1 : i32
    scf.for %scan3A_404 = %scan3A_399 to %scan3A_401 step %scan3A_402  : i32 {
      %get3A_405 = arith.index_cast %scan3A_404 : i32 to index
      %get3A_406 = tpu.vector_load %arg7[%get3A_405] {strides = array<i32>} : memref<528xf32, #tpu.memory_space<vmem>>, vector<16xf32>,
      %get3A_407 = vector.shape_cast %get3A_406 : vector<16xf32> to vector<16xf32>
      %slice3A = vector.extract_strided_slice %get3A_407 {offsets = [0], sizes = [1], strides = [1]} : vector<16xf32> to vector<1xf32>
      %squeeze3A = vector.extract %slice3A[0] : f32 from vector<1xf32>
      %lt3A = arith.constant 3.500000e-01 : f32
      %lt3A_408 = arith.cmpf olt, %squeeze3A, %lt3A : f32
      %convert_element_type3A = arith.extui %lt3A_408 : i1 to i32
      %cond3A = arith.constant 0 : i32
      %cond3A_409 = arith.cmpi ne, %convert_element_type3A, %cond3A : i32
      scf.if %cond3A_409 {
        %swap3A_410 = arith.index_cast %scan3A_404 : i32 to index
        %swap3A_411 = arith.constant 0 : index
        %swap3A_412 = tpu.vector_load %arg10[%swap3A_410, %swap3A_411] {strides = array<i32>} : memref<512x64xf32, #tpu.memory_space<vmem>>, vector<1x16xf32>,
        %swap3A_413 = vector.shape_cast %swap3A_412 : vector<1x16xf32> to vector<16xf32>
        %swap3A_414 = vector.shape_cast %get3A_383 : vector<16xf32> to vector<1x16xf32>
        tpu.vector_store %arg10[%swap3A_410, %swap3A_411], %swap3A_414 {strides = array<i32>} : memref<512x64xf32, #tpu.memory_space<vmem>>, vector<1x16xf32>,
        %swap3A_415 = arith.index_cast %scan3A_404 : i32 to index
        %swap3A_416 = arith.constant 16 : index
        %swap3A_417 = tpu.vector_load %arg10[%swap3A_415, %swap3A_416] {strides = array<i32>} : memref<512x64xf32, #tpu.memory_space<vmem>>, vector<1x16xf32>,
        %swap3A_418 = vector.shape_cast %swap3A_417 : vector<1x16xf32> to vector<16xf32>
        %swap3A_419 = vector.shape_cast %get3A_388 : vector<16xf32> to vector<1x16xf32>
        tpu.vector_store %arg10[%swap3A_415, %swap3A_416], %swap3A_419 {strides = array<i32>} : memref<512x64xf32, #tpu.memory_space<vmem>>, vector<1x16xf32>,
        %swap3A_420 = arith.index_cast %scan3A_404 : i32 to index
        %swap3A_421 = arith.constant 32 : index
        %swap3A_422 = tpu.vector_load %arg10[%swap3A_420, %swap3A_421] {strides = array<i32>} : memref<512x64xf32, #tpu.memory_space<vmem>>, vector<1x16xf32>,
        %swap3A_423 = vector.shape_cast %swap3A_422 : vector<1x16xf32> to vector<16xf32>
        %swap3A_424 = vector.shape_cast %get3A_393 : vector<16xf32> to vector<1x16xf32>
        tpu.vector_store %arg10[%swap3A_420, %swap3A_421], %swap3A_424 {strides = array<i32>} : memref<512x64xf32, #tpu.memory_space<vmem>>, vector<1x16xf32>,
        %swap3A_425 = arith.index_cast %scan3A_404 : i32 to index
        %swap3A_426 = arith.constant 48 : index
        %swap3A_427 = tpu.vector_load %arg10[%swap3A_425, %swap3A_426] {strides = array<i32>} : memref<512x64xf32, #tpu.memory_space<vmem>>, vector<1x16xf32>,
        %swap3A_428 = vector.shape_cast %swap3A_427 : vector<1x16xf32> to vector<16xf32>
        %swap3A_429 = vector.shape_cast %get3A_398 : vector<16xf32> to vector<1x16xf32>
        tpu.vector_store %arg10[%swap3A_425, %swap3A_426], %swap3A_429 {strides = array<i32>} : memref<512x64xf32, #tpu.memory_space<vmem>>, vector<1x16xf32>,
      } else {
      }
    }
    %scan3A_403 = arith.constant 512 : i32
    "tpu.region"() ({
      %run_scoped3A = tpu.sem_alloc : memref<!tpu.dma_semaphore, #tpu.memory_space<semaphore_mem>>
      %dma_start3A_404 = arith.constant 0 : i32
      %dma_start3A_405 = tpu.memref_slice %arg5[%mul3A_2, %dma_start3A_404] : memref<16384x64xf32, #tpu.memory_space<hbm>> -> memref<512x64xf32, #tpu.memory_space<hbm>>
      %dma_start3A_406 = arith.constant 0 : i32
      %dma_start3A_407 = tpu.memref_slice %arg5[%mul3A_2, %dma_start3A_406] : memref<16384x64xf32, #tpu.memory_space<hbm>> -> memref<512x64xf32, #tpu.memory_space<hbm>>
      tpu.enqueue_dma source(%arg10 : memref<512x64xf32, #tpu.memory_space<vmem>>) target(%dma_start3A_407 : memref<512x64xf32, #tpu.memory_space<hbm>>) target_semaphore(%run_scoped3A : memref<!tpu.dma_semaphore, #tpu.memory_space<semaphore_mem>>)
      %dma_wait3A_408 = arith.constant 0 : i32
      %dma_wait3A_409 = tpu.memref_slice %arg5[%mul3A_2, %dma_wait3A_408] : memref<16384x64xf32, #tpu.memory_space<hbm>> -> memref<512x64xf32, #tpu.memory_space<hbm>>
      %dma_wait3A_410 = arith.constant 0 : i32
      %dma_wait3A_411 = tpu.memref_slice %arg5[%mul3A_2, %dma_wait3A_410] : memref<16384x64xf32, #tpu.memory_space<hbm>> -> memref<512x64xf32, #tpu.memory_space<hbm>>
      tpu.wait_dma2 semaphore(%run_scoped3A : memref<!tpu.dma_semaphore, #tpu.memory_space<semaphore_mem>>) src(%arg10 : memref<512x64xf32, #tpu.memory_space<vmem>>) dst(%dma_wait3A_411 : memref<512x64xf32, #tpu.memory_space<hbm>>)
      tpu.yield
    }) : () -> ()
    return
  }
}

</mosaic_0001>

<sc_bundles>
// kernel: _embed.3.cloned.1.call-start
scs
__scs_entry_jumppad:
0x0: {  	(pc) =	sbr.rel $0x88, $3  }
0x1: {  	(tag) =	ssettag $0x0;
	lr =	simm.s32 $0x1  }
0x2: {  	[smem:$0x3F9E] =	sst lr;
	_ =	strace $0xD0000000  }
0x3: {  	_ = 	snop  }
0x4: {  	_ = 	snop  }
0x5: {  	_ = 	snop  }
0x6: {  	_ = 	snop  }
0x7: {  	_ = 	snop  }
__scs_overlays_trampoline_lowered:
0x8: {  	[smem:$0x3FAD] =	sst s0  }
0x9: {  	[smem:$0x3FAE] =	sst s1  }
0xa: {  	[smem:$0x3FAF] =	sst s2  }
0xb: {  	[smem:$0x3FB0] =	sst s3  }
0xc: {  	[smem:$0x3FB1] =	sst s4  }
0xd: {  	[smem:$0x3FB2] =	sst s5  }
0xe: {  	[smem:$0x3FB3] =	sst s6  }
0xf: {  	[smem:$0x3FB4] =	sst s7  }
0x10: {  	[smem:$0x3FB5] =	sst s8  }
0x11: {  	[smem:$0x3FB6] =	sst s9;
	s0 =	simm.s32 @!p0 $0x0  }
0x12: {  	s1 =	sld [smem:$0x3F9C];
	s0 =	simm.s32 @p0 $0x1  }
0x13: {  	[smem:$0x3FB7] =	sst s0;
	s0 =	simm.s32 @!p1 $0x0  }
0x14: {  	s2 =	sld [smem:$0x3F9B];
	s0 =	simm.s32 @p1 $0x1  }
0x15: {  	[smem:$0x3FB8] =	sst s0;
	s0 =	simm.s32 @!p2 $0x0  }
0x16: {  	s3 =	sld [smem:$0x3FDB];
	s0 =	simm.s32 @p2 $0x1  }
0x17: {  	s4 =	simm.s32 $0x1BF5;
	[smem:$0x3FBA] =	sst s0  }
0x18: {  	s0 =	sld [smem:$0x3F9D];
	_ =	swait.ge [sflag:s4], $0x0  }
0x19: {  	s7 =	sld [smem:$0x3F9E]  }
0x1a: {  	s8 =	sadd.s32 $0xFFFFE003, lr  }
0x1b: {  	s9 =	sadd.s32 $0xFFFFFEF7, lr;
	s5 =	simm.s32 $0xFFFFFFFF;
	p2 =	slt.u32 s8, $0xFFFFF086  }
0x1c: {  	p1 =	slt.u32 s9, $0xF7A;
	s5 =	simm.s32 @!p2 $0x0  }
0x1d: {  	s5 =	simm.s32 @p1 $0x1;
	p0 =	seq.s32 s7, s2  }
0x1e: {  	s7 =	smul.u32 @!p0 $0xF7A, s2;
	p2 =	seq.s32 @!p0 s5, $0x0  }
0x1f: {  	s9 =	smul.u32 $0xF7A, s1;
	s8 =	simm.s32 @!p0 $0x1BF5;
	p2 =	por !p2, p0  }
0x20: {  	[sflag:s8] =	ssyncset.s32 @!p0 $0xFFFFF086;
	s6 =	sadd.s32 @!p0 s3, s7;
	s7 =	simm.s32 @!p0 $0x108  }
0x21: {  	s3 =	sadd.s32 s3, s9;
	s6 =	sadd.s32 @!p0 $0x88, s6;
	s7 =	simm.s32 @p2 $0x1082  }
0x22: {  	[simem:s7], [sflag:s8] =	dma.local @!p0 [hbm:s6], $0xF7A  }
0x23: {  	s9 =	sor.u32 $0xD0000000, s2;
	s6 =	simm.s32 $0x108;
	_ =	swait.ge @!p0 [sflag:s8], $0x0  }
0x24: {  	s3 =	sadd.s32 $0x88, s3;
	s6 =	simm.s32 @!p1 $0x1082;
	[sflag:s4] =	ssyncset.s32 $0xFFFFF086  }
0x25: {  	[simem:s6], [sflag:s4] =	dma.local [hbm:s3], $0xF7A  }
0x26: {  	[smem:$0x3F9E] =	sst s1;
	(tag) =	ssettag s2;
	_ =	strace s9  }
0x27: {  	s1 =	sld [smem:$0x3FAE]  }
0x28: {  	s2 =	sld [smem:$0x3FAF]  }
0x29: {  	s4 =	sld [smem:$0x3FB1]  }
0x2a: {  	p0 =	seq.s32 s5, $0x0;
	s5 =	sld [smem:$0x3FB2]  }
0x2b: {  	s6 =	sld [smem:$0x3FB3]  }
0x2c: {  	s7 =	sld [smem:$0x3FB4]  }
0x2d: {  	s3 =	simm.s32 $0x108;
	s8 =	sld [smem:$0x3FB5]  }
0x2e: {  	s3 =	simm.s32 @!p0 $0x1082;
	s9 =	sld [smem:$0x3FB6]  }
0x2f: {  	lr =	sadd.s32 s0, s3;
	s0 =	sld [smem:$0x3FAD]  }
0x30: {  	s3 =	sld [smem:$0x3FB0]  }
0x31: {  	[smem:$0x3FB9] =	sst s10  }
0x32: {  	s10 =	sld [smem:$0x3FB7];
	_ =	sdelay $0x3  }
0x33: {  	p0 =	seq.s32 s10, $0x1;
	s10 =	sld [smem:$0x3FB9];
	_ =	sdelay $0x3  }
0x34: {  	[smem:$0x3FB9] =	sst s10  }
0x35: {  	s10 =	sld [smem:$0x3FB8];
	_ =	sdelay $0x3  }
0x36: {  	p1 =	seq.s32 s10, $0x1;
	s10 =	sld [smem:$0x3FB9];
	_ =	sdelay $0x3  }
0x37: {  	[smem:$0x3FB9] =	sst s10  }
0x38: {  	s10 =	sld [smem:$0x3FBA]  }
0x39: {  	_ = 	snop;
	(pc) =	sbr.ind lr, $3  }
0x3a: {  	_ = 	snop  }
0x3b: {  	_ = 	snop  }
0x3c: {  	p2 =	seq.s32 s10, $0x1;
	s10 =	sld [smem:$0x3FB9]  }
0x3d: {  	_ =	shalt  }
0x3e: {  	_ =	shalt  }
0x3f: {  	_ =	shalt  }
0x40: {  	_ =	shalt  }
0x41: {  	_ =	shalt  }
0x42: {  	_ =	shalt  }
0x43: {  	_ =	shalt  }
0x44: {  	_ =	shalt  }
0x45: {  	_ =	shalt  }
0x46: {  	_ =	shalt  }
0x47: {  	_ =	shalt  }
0x48: {  	_ =	shalt  }
0x49: {  	_ =	shalt  }
0x4a: {  	_ =	shalt  }
0x4b: {  	_ =	shalt  }
0x4c: {  	_ =	shalt  }
0x4d: {  	_ =	shalt  }
0x4e: {  	_ =	shalt  }
0x4f: {  	_ =	shalt  }
0x50: {  	_ =	shalt  }
0x51: {  	_ =	shalt  }
0x52: {  	_ =	shalt  }
0x53: {  	_ =	shalt  }
0x54: {  	_ =	shalt  }
0x55: {  	_ =	shalt  }
0x56: {  	_ =	shalt  }
0x57: {  	_ =	shalt  }
0x58: {  	_ =	shalt  }
0x59: {  	_ =	shalt  }
0x5a: {  	_ =	shalt  }
0x5b: {  	_ =	shalt  }
0x5c: {  	_ =	shalt  }
0x5d: {  	_ =	shalt  }
0x5e: {  	_ =	shalt  }
0x5f: {  	_ =	shalt  }
0x60: {  	_ =	shalt  }
0x61: {  	_ =	shalt  }
0x62: {  	_ =	shalt  }
0x63: {  	_ =	shalt  }
0x64: {  	_ =	shalt  }
0x65: {  	_ =	shalt  }
0x66: {  	_ =	shalt  }
0x67: {  	_ =	shalt  }
0x68: {  	_ =	shalt  }
0x69: {  	_ =	shalt  }
0x6a: {  	_ =	shalt  }
0x6b: {  	_ =	shalt  }
0x6c: {  	_ =	shalt  }
0x6d: {  	_ =	shalt  }
0x6e: {  	_ =	shalt  }
0x6f: {  	_ =	shalt  }
0x70: {  	_ =	shalt  }
0x71: {  	_ =	shalt  }
0x72: {  	_ =	shalt  }
0x73: {  	_ =	shalt  }
0x74: {  	_ =	shalt  }
0x75: {  	_ =	shalt  }
0x76: {  	_ =	shalt  }
0x77: {  	_ =	shalt  }
0x78: {  	_ =	shalt  }
0x79: {  	_ =	shalt  }
0x7a: {  	_ =	shalt  }
0x7b: {  	_ =	shalt  }
0x7c: {  	_ =	shalt  }
0x7d: {  	_ =	shalt  }
0x7e: {  	_ =	shalt  }
0x7f: {  	_ =	shalt  }
0x80: {  	_ =	shalt  }
0x81: {  	_ =	shalt  }
0x82: {  	_ =	shalt  }
0x83: {  	_ =	shalt  }
0x84: {  	_ =	shalt  }
0x85: {  	_ =	shalt  }
0x86: {  	_ =	shalt  }
0x87: {  	_ =	shalt  }
.Lfunc_end0:
.L_simem_size_0:
called_computation_lowered:
.L_overlay_start_0:
0x88: {  	s2 =	sld [smem:$0x3FD9]  }
0x89: {  	s3 =	sld [smem:$0x3FFE];
	_ =	sdelay $0x1  }
0x8a: {  	s1 =	srdreg.scid  }
0x8b: {  	s0 =	sand.u32 $0x1, s1  }
0x8c: {  	s17 =	sshll.u32 s0, $0xA;
	s2 =	sadd.s32 s3, s2  }
0x8d: {  	s2 =	sadd.s32 s2, s17  }
0x8e: {  	[smem:$0x3FC5] =	sst s2  }
0x8f: {  	_ = 	snop  }
0x90: {  	s2 =	sld [smem:$0x3FC9]  }
0x91: {  	s18 =	sld [smem:$0x3FC8]  }
0x92: {  	s4 =	sld [smem:$0x3FD0];
	(tm) =	ssettm $0x1  }
0x93: {  	s5 =	sld [smem:$0x3FFB];
	_ =	sdelay $0x3  }
0x94: {  	_ =	strace s5  }
0x95: {  	s5 =	sld [smem:$0x3FFC];
	_ =	sdelay $0x3  }
0x96: {  	_ =	strace s5  }
0x97: {  	s5 =	sld [smem:$0x3FFD];
	_ =	sdelay $0x3  }
0x98: {  	_ =	strace s5  }
0x99: {  	_ =	strace $0x8FFFFFFF  }
0x9a: {  	s19 =	sld [smem:$0x3FDB];
	_ =	sdelay $0x1  }
0x9b: {  	s6 =	simm.s32 $_scs_section_size  }
0x9c: {  	s7 =	simm.s32 $_size__tile_overlayer_lowered;
	s8 =	simm.s32 $_tile_overlayer_lowered  }
0x9d: {  	s22 =	simm.s32 $0x1BFF;
	s21 =	sshll.u32 s8, $0x1;
	s5 =	sadd.s32 s6, s19  }
0x9e: {  	s9 =	simm.s32 $0x0;
	s20 =	sshll.u32 s7, $0x1;
	s7 =	sadd.s32 s21, s5  }
0x9f: {  	[timem:s9], [sflag:s22] =	dma.local [hbm:s7], s20  }
0xa0: {  	_ =	swait.ge [sflag:s22], s20  }
0xa1: {  	s6 =	ssub.s32 $0x0, s20;
	[sflag:s22] =	ssyncset.done $0x0  }
0xa2: {  	[sflag:s22] =	ssyncadd.s32 s6;
	_ =	sdelay $0x1  }
0xa3: {  	s23 =	simm.s32 $0x1B8B  }
0xa4: {  	_ =	swait.ge [sflag:s23], $0x1  }
0xa5: {  	[sflag:s23] =	ssyncset.done $0x0  }
0xa6: {  	s25 =	simm.s32 $0x1B8E;
	s24 =	sld [smem:$0x3FFE];
	[sflag:s23] =	ssyncadd.s32 $0xFFFFFFFF  }
0xa7: {  	s26 =	simm.s32 $execute0_lowered;
	[smem:$0x3FD2] =	sst s25  }
0xa8: {  	s7 =	sshll.u32 s26, $0x1;
	_ =	strace $0x80000046;
	[dreg:$0x1] =	wrdreg $0xFFFFFFFF  }
0xa9: {  	s28 =	simm.s32 $_size_execute0_lowered;
	s5 =	sadd.s32 s5, s7;
	[dreg:$0x0] =	wrdreg $0x0  }
0xaa: {  	s7 =	sshll.u32 s28, $0x1;
	[dreg:$0x2] =	wrdreg s5  }
0xab: {  	[dreg:$0x3] =	wrdreg s7  }
0xac: {  	[dreg:$0x4] =	wrdreg $0xC0  }
0xad: {  	_ =	task [dreg:s9], $0x5FFFF  }
0xae: {  	[dreg:$0x1] =	wrdreg $0xFFFFFFFF  }
0xaf: {  	[dreg:$0x0] =	wrdreg $0x60  }
0xb0: {  	[dreg:$0x2] =	wrdreg s2  }
0xb1: {  	[dreg:$0x3] =	wrdreg s18  }
0xb2: {  	[dreg:$0x4] =	wrdreg s24  }
0xb3: {  	[dreg:$0x5] =	wrdreg s4  }
0xb4: {  	[dreg:$0x6] =	wrdreg $0x9  }
0xb5: {  	_ =	task.clear_ibuf [dreg:s9], $0x7FFFF;
	_ =	strace $0x90000046  }
0xb6: {  	s29 =	simm.s32 $0x9;
	_ =	strace $0x80000048  }
0xb7: {  	_ =	swait.ge [sflag:s29], $0x1  }
0xb8: {  	[sflag:s29] =	ssyncadd.s32 $0xFFFFFFFF  }
0xb9: {  	_ =	strace $0x90000048  }
0xba: {  	_ =	sfence  }
0xbb: {  	s30 =	sld [smem:$0x0];
	_ =	sdelay $0x2  }
0xbc: {  	s31 =	sshll.u32 s1, $0xD;
	s1 =	sshrl.u32 s1, $0x2  }
0xbd: {  	s3 =	sand.u32 $0x4000, s31;
	s1 =	sadd.s32 s1, s30  }
0xbe: {  	s0 =	sor.u32 s3, s0;
	s1 =	sshll.u32 s1, $0x11  }
0xbf: {  	s0 =	sor.u32 s1, s0  }
0xc0: {  	s0 =	sadd.s32 $0x8F2B, s0  }
0xc1: {  	[sflag:s0] =	ssyncadd.remote.s32 $0x1  }
0xc2: {  	_ =	sfence.sel $0xFFFF  }
0xc3: {  	[dreg:$0x0] =	wrdreg $0xFFFFFFFF;
	(pc) =	sbr.abs _section_cstart, $3  }
0xc4: {  	[dreg:$0x1] =	wrdreg $0xFFFFFFFF  }
0xc5: {  	_ =	task.clear_ibuf [dreg:s9], $0x2FFFF;
	_ =	strace $0x9FFFFFFF  }
0xc6: {  	(tm) =	ssettm $0x7FFFFFFF  }
0xc7: {  	_ =	shalt  }
tec
execute0_lowered:
.L_overlay_start_1:
0x0: {  	(tag) =	ssettag $0x1  }
0x1: {  	s4 =	rddreg [dreg:$0x0]  }
0x2: {  	s5 =	rddreg [dreg:$0x1]  }
0x3: {  	s6 =	rddreg [dreg:$0x2]  }
0x4: {  	s7 =	rddreg [dreg:$0x3]  }
0x5: {  	s0 =	rddreg [dreg:$0x4];
	s2 =	simm.s32 $0x0;
	s3 =	srdreg.scid  }
0x6: {  	s1 =	stileid.u32;
	s11 =	simm.s32 $0x80;
	s12 =	simm.s32 $0x410  }
0x7: {  	s13 =	simm.s32 $0x650;
	s14 =	simm.s32 $0x490;
	s15 =	simm.s32 $0x2650  }
0x8: {  	s16 =	simm.s32 $0x510;
	s17 =	simm.s32 $0x4650;
	s18 =	simm.s32 $0x590  }
0x9: {  	s19 =	simm.s32 $0x6650;
	s20 =	simm.s32 $0x610;
	s21 =	simm.s32 $0x2  }
0xa: {  	s22 =	simm.s32 $0x1;
	s23 =	simm.s32 $0x0;
	s3 =	sand.u32 $0x1, s3  }
0xb: {  	[smem:$0x7FF] =	sst s2;
	s9 =	sshll.u32 s1, $0xA;
	s8 =	ssub.s32 $0x2, s3  }
0xc: {  	s3 =	sshll.u32 s3, $0x9;
	_ =	strace $0x80000047;
	s10 =	sshrl.u32 s8, $0x1  }
0xd: {  	s9 =	sor.u32 s3, s9;
	s3 =	sadd.s32 $0x187000, s6;
	s6 =	sadd.s32 $0x24A500, s6  }
0xe: {  	s8 =	ssub.s32 s8, s10;
	s31 =	sshrl.u32 s9, $0x3;
	s9 =	sshll.u32 s9, $0x3  }
0xf: {  	s10 =	simm.s32 $0x200;
	s4 =	sadd.s32 s4, s31;
	s5 =	sadd.s32 s5, s31  }
0x10: {  	s7 =	sadd.s32 s7, s9;
	s8 =	smax.u32 s8, $0x1;
	s9 =	simm.s32 $0x3  }
.LBB2_1:
0x11: {  	[tilespmem:s2], [sflag:$0x3] =	stream.linear.gather [hbm4b:s4+s2], $0x200, $0x38;
	[tilespmem:$0x8650] =	vst v63  }
0x12: {  	_ =	swait.ge [sflag:s9], $0x200  }
0x13: {  	[sflag:s9] =	ssyncset.done $0x0  }
0x14: {  	[sflag:s9] =	ssyncadd.s32 $0xFFFFFE00  }
0x15: {  	[tilespmem:s10], [sflag:$0x3] =	stream.linear.gather [hbm4b:s5+s2], $0x200, $0x38;
	[tilespmem:$0x8650] =	vst v63  }
0x16: {  	_ =	swait.ge [sflag:s9], $0x200  }
0x17: {  	[sflag:s9] =	ssyncset.done $0x0  }
0x18: {  	[sflag:s9] =	ssyncadd.s32 $0xFFFFFE00  }
0x19: {  	v0 =	vld [tilespmem:$0x0]  }
0x1a: {  	v1 =	vld [tilespmem:$0x10]  }
0x1b: {  	v2 =	vld [tilespmem:$0x20]  }
0x1c: {  	v3 =	vld [tilespmem:$0x30]  }
0x1d: {  	v4 =	vld [tilespmem:$0x40]  }
0x1e: {  	[tilespmem:$0x410] =	vst v0;
	v0 =	vld [tilespmem:$0x50]  }
0x1f: {  	[tilespmem:$0x420] =	vst v1;
	v1 =	vld [tilespmem:$0x60]  }
0x20: {  	[tilespmem:$0x430] =	vst v2;
	v2 =	vld [tilespmem:$0x70]  }
0x21: {  	[tilespmem:$0x440] =	vst v3;
	v3 =	vld [tilespmem:$0x80]  }
0x22: {  	[tilespmem:$0x450] =	vst v4;
	v4 =	vld [tilespmem:$0x90]  }
0x23: {  	[tilespmem:$0x460] =	vst v0;
	v0 =	vld [tilespmem:$0xA0]  }
0x24: {  	[tilespmem:$0x470] =	vst v1;
	v1 =	vld [tilespmem:$0xB0]  }
0x25: {  	[tilespmem:$0x480] =	vst v2;
	v2 =	vld [tilespmem:$0xC0]  }
0x26: {  	[tilespmem:$0x490] =	vst v3;
	v3 =	vld [tilespmem:$0xD0]  }
0x27: {  	[tilespmem:$0x4A0] =	vst v4;
	v4 =	vld [tilespmem:$0xE0]  }
0x28: {  	[tilespmem:$0x4B0] =	vst v0;
	v0 =	vld [tilespmem:$0xF0]  }
0x29: {  	[tilespmem:$0x4C0] =	vst v1;
	v1 =	vld [tilespmem:$0x100]  }
0x2a: {  	[tilespmem:$0x4D0] =	vst v2;
	v2 =	vld [tilespmem:$0x110]  }
0x2b: {  	[tilespmem:$0x4E0] =	vst v3;
	v3 =	vld [tilespmem:$0x120]  }
0x2c: {  	[tilespmem:$0x4F0] =	vst v4;
	v4 =	vld [tilespmem:$0x130]  }
0x2d: {  	[tilespmem:$0x500] =	vst v0;
	v0 =	vld [tilespmem:$0x140]  }
0x2e: {  	[tilespmem:$0x510] =	vst v1;
	v1 =	vld [tilespmem:$0x150]  }
0x2f: {  	[tilespmem:$0x520] =	vst v2;
	v2 =	vld [tilespmem:$0x160]  }
0x30: {  	[tilespmem:$0x530] =	vst v3;
	v3 =	vld [tilespmem:$0x170]  }
0x31: {  	[tilespmem:$0x540] =	vst v4;
	v4 =	vld [tilespmem:$0x180]  }
0x32: {  	[tilespmem:$0x550] =	vst v0;
	v0 =	vld [tilespmem:$0x190]  }
0x33: {  	[tilespmem:$0x560] =	vst v1;
	v1 =	vld [tilespmem:$0x1A0]  }
0x34: {  	[tilespmem:$0x570] =	vst v2;
	v2 =	vld [tilespmem:$0x1B0]  }
0x35: {  	[tilespmem:$0x580] =	vst v3;
	v3 =	vld [tilespmem:$0x1C0]  }
0x36: {  	[tilespmem:$0x590] =	vst v4;
	v4 =	vld [tilespmem:$0x1D0]  }
0x37: {  	[tilespmem:$0x5A0] =	vst v0;
	v0 =	vld [tilespmem:$0x1E0]  }
0x38: {  	[tilespmem:$0x5B0] =	vst v1;
	v1 =	vld [tilespmem:$0x1F0]  }
0x39: {  	[tilespmem:$0x5C0] =	vst v2  }
0x3a: {  	[tilespmem:$0x5D0] =	vst v3  }
0x3b: {  	[tilespmem:$0x5E0] =	vst v4  }
0x3c: {  	[tilespmem:$0x5F0] =	vst v0  }
0x3d: {  	[tilespmem:$0x600] =	vst v1  }
0x3e: {  	[tilespmem:s13], [sflag:$0x1] =	stream.indirect.gather [hbm4b:s3+s11], $0x40, s12, s11, $0xb8;
	[tilespmem:$0x8650] =	vst v63  }
0x3f: {  	_ = 	snop  }
0x40: {  	[tilespmem:s15], [sflag:$0x1] =	stream.indirect.gather [hbm4b:s3+s11], $0x40, s14, s11, $0xb8;
	[tilespmem:$0x8650] =	vst v63  }
0x41: {  	_ = 	snop  }
0x42: {  	[tilespmem:s17], [sflag:$0x1] =	stream.indirect.gather [hbm4b:s3+s11], $0x40, s16, s11, $0xb8;
	[tilespmem:$0x8650] =	vst v63  }
0x43: {  	_ = 	snop  }
0x44: {  	[tilespmem:s19], [sflag:$0x1] =	stream.indirect.gather [hbm4b:s3+s11], $0x40, s18, s11, $0xb8;
	[tilespmem:$0x8650] =	vst v63  }
0x45: {  	_ = 	snop  }
0x46: {  	[tilespmem:s20], [sflag:$0x2] =	stream.linear.gather [hbm4b:s6+s2], $0x40, $0x38;
	[tilespmem:$0x8650] =	vst v63  }
0x47: {  	_ =	swait.ge [sflag:s21], $0x40  }
0x48: {  	[sflag:s21] =	ssyncset.done $0x0  }
0x49: {  	[sflag:s21] =	ssyncadd.s32 $0xFFFFFFC0  }
0x4a: {  	_ =	swait.ge [sflag:s22], $0x2000  }
0x4b: {  	[sflag:s22] =	ssyncset.done $0x0  }
0x4c: {  	[sflag:s22] =	ssyncadd.s32 $0xFFFFE000  }
0x4d: {  	_ =	swait.ge [sflag:s22], $0x2000  }
0x4e: {  	[sflag:s22] =	ssyncset.done $0x0  }
0x4f: {  	[sflag:s22] =	ssyncadd.s32 $0xFFFFE000  }
0x50: {  	_ =	swait.ge [sflag:s22], $0x2000  }
0x51: {  	[sflag:s22] =	ssyncset.done $0x0  }
0x52: {  	[sflag:s22] =	ssyncadd.s32 $0xFFFFE000  }
0x53: {  	_ =	swait.ge [sflag:s22], $0x2000  }
0x54: {  	[sflag:s22] =	ssyncset.done $0x0  }
0x55: {  	s24 =	simm.s32 $0x0;
	[sflag:s22] =	ssyncadd.s32 $0xFFFFE000  }
0x56: {  	v0 =	vld [tilespmem:s24+$0x200];
	_ =	sdelay $0x4  }
0x57: {  	(v2sf) =	vpush v0, $0x0;
	_ =	sdelay $0xc  }
0x58: {  	v0 =	vld [tilespmem:$0x610]  }
0x59: {  	v1 =	vld [tilespmem:$0x620]  }
0x5a: {  	v2 =	vld [tilespmem:$0x630];
	s31 =	spop (v2sf)  }
0x5b: {  	v3 =	vld [tilespmem:$0x640];
	p1 =	slt.f32 s31, $3.499999940e-01  }
0x5c: {  	s24 =	simm.s32 $0x670  }
0x5d: {  	[tilespmem:s24+$0xFFFFFFE0] =	vst @p1 v0  }
0x5e: {  	[tilespmem:s24+$0xFFFFFFF0] =	vst @p1 v1  }
0x5f: {  	s25 =	simm.s32 $0x4;
	[tilespmem:s24+$0x0] =	vst @p1 v2  }
.LBB2_2:
0x60: {  	s26 =	sshra.s32 s25, $0x2;
	s25 =	sadd.s32 $0x4, s25;
	[tilespmem:s24+$0x10] =	vst @p1 v3  }
0x61: {  	v4 =	vld [tilespmem:s26+$0x200];
	p0 =	sne.s32 s25, $0x800;
	_ =	sdelay $0x4  }
0x62: {  	(v2sf) =	vpush v4, $0x0;
	_ =	sdelay $0xe  }
0x63: {  	s26 =	spop (v2sf)  }
.Ltmp0:
0x64: {  	p1 =	slt.f32 s26, $3.499999940e-01;
	(pc) =	sbr.rel @p0 .LBB2_2-.Ltmp0, $4  }
0x65: {  	s24 =	sadd.s32 $0x40, s24  }
0x66: {  	[tilespmem:s24+$0xFFFFFFE0] =	vst @p1 v0  }
0x67: {  	[tilespmem:s24+$0xFFFFFFF0] =	vst @p1 v1  }
0x68: {  	[tilespmem:s24+$0x0] =	vst @p1 v2  }
0x69: {  	s23 =	sadd.s32 $0x1, s23  }
0x6a: {  	p0 =	sne.s32 s23, s8  }
.Ltmp1:
0x6b: {  	[tilespmem:s24+$0x10] =	vst @p1 v3;
	(pc) =	sbr.rel @p0 .LBB2_1-.Ltmp1, $4  }
0x6c: {  	[hbm4b:s7+s2] =	stream.linear.scatter [tilespmem:s13], [sflag:$0x3], $0x8000, $0x38;
	[tilespmem:$0x8650] =	vst v63  }
0x6d: {  	_ =	swait.ge [sflag:s9], $0x8000  }
0x6e: {  	[sflag:s9] =	ssyncset.done $0x0  }
0x6f: {  	[sflag:s9] =	ssyncadd.s32 $0xFFFF8000  }
0x70: {  	_ =	sfence.sel $0x180000  }
0x71: {  	[bflag:$0x0] =	sbarrier.arrive $0xFFFF  }
0x72: {  	p0 =	sne.s32 s1, $0x0;
	_ =	strace $0x90000047  }
0x73: {  	s0 =	sadd.s32 @!p0 $0x100000, s0;
	[bflag:$0x2] =	sbarrier.arrive $0xFFFF  }
0x74: {  	[sflag:s0] =	ssyncadd.tile.s32 @!p0 $0x1;
	_ =	shalt  }
.Lfunc_end2:
_tile_overlayer_lowered:
.L_overlay_start_2:
0x75: {  	(tag) =	ssettag $0x2  }
0x76: {  	s0 =	rddreg [dreg:$0x0];
	s2 =	stileid.u32  }
0x77: {  	s1 =	rddreg [dreg:$0x1];
	p0 =	sne.s32 s2, $0x0  }
0x78: {  	s3 =	rddreg [dreg:$0x2];
	[bflag:$0x3] =	sbarrier.arrive $0xFFFF;
	s2 =	simm.s32 @!p0 $0x1C03  }
0x79: {  	[timem:s3], [sflag:s2] =	dma.local @!p0 [hbm:s0], s1  }
0x7a: {  	s0 =	simm.s32 @!p0 $0x3  }
0x7b: {  	_ =	swait.ge @!p0 [sflag:s0], s1  }
0x7c: {  	s1 =	ssub.s32 @!p0 $0x0, s1;
	[sflag:s0] =	ssyncset.done @!p0 $0x0  }
0x7d: {  	[sflag:s0] =	ssyncadd.s32 @!p0 s1  }
0x7e: {  	[bflag:$0x3] =	sbarrier.arrive $0xFFFF  }
0x7f: {  	_ =	shalt  }

</sc_bundles>
